<compile_context>
chip_gen: v7x
topology: tpu7x:2x2x1
jax: 0.10.2.dev20260603
libtpu: 0.0.44.dev20260713+nightly
codegen_flags: <defaults>
</compile_context>

<pallas_src>
import jax
import jax.numpy as jnp
from jax import lax
from jax.experimental import pallas as pl
from jax.experimental.pallas import tpu as pltpu
from jax.experimental.pallas import tpu_sc as plsc

N = 10000
E = 320000
D = 128
H = 128

NC = 2
NS = 16
NW = NC * NS
EPW = E // NW
CH = 80
NCHUNK = EPW // CH
NA = 10240
RPT = NA // NS
FULL = RPT // CH
LPC = CH // 16


def _sc_agg_body(x_hbm, src_hbm, dst_hbm, z128_hbm, zn_hbm,
                 sum_out, cnt_out,
                 sum_acc, src0_v, src1_v, dst0_v, dst1_v,
                 rows0_v, rows1_v, cnt_v,
                 sem0, sem1, semi0, semi1):
    cid = lax.axis_index("c").astype(jnp.int32)
    sid = lax.axis_index("s").astype(jnp.int32)
    row0 = sid * jnp.int32(RPT)
    wid = cid * jnp.int32(NS) + sid
    srcs = (src0_v, src1_v)
    dsts = (dst0_v, dst1_v)
    rows = (rows0_v, rows1_v)
    sems = (sem0, sem1)
    isems = (semi0, semi1)
    ebase = wid * jnp.int32(EPW)

    pltpu.sync_copy(z128_hbm, rows0_v)
    pltpu.sync_copy(zn_hbm, cnt_v)
    for k in range(FULL):
        pltpu.sync_copy(rows0_v, sum_acc.at[pl.ds(row0 + k * CH, CH)])
    plsc.subcore_barrier()

    ones16 = jnp.full((16,), 1.0, jnp.float32)
    zeros16i = jnp.zeros((16,), jnp.int32)

    def idx_copy(c, b):
        off = ebase + c * jnp.int32(CH)
        a = pltpu.async_copy(src_hbm.at[pl.ds(off, CH)], srcs[b], isems[b])
        d = pltpu.async_copy(dst_hbm.at[pl.ds(off, CH)], dsts[b], isems[b])
        return a, d

    def start_gather(b):
        return pltpu.async_copy(x_hbm.at[srcs[b]], rows[b], sems[b])

    def drain(b):
        s = pltpu.async_copy(rows[b], sum_acc.at[dsts[b]], sems[b],
                             add=True)
        for j in range(LPC):
            idx16 = dsts[b][pl.ds(j * 16, 16)]
            plsc.addupdate_scatter(cnt_v, [zeros16i, idx16], ones16)
        s.wait()

    ia, id_ = idx_copy(jnp.int32(0), 0)
    ia.wait(); id_.wait()
    g_pro = start_gather(0)
    ia, id_ = idx_copy(jnp.int32(1), 1)
    ia.wait(); id_.wait()
    g_pro.wait()

    def two_chunks(g, carry):
        c0 = jnp.int32(2) * g
        g1 = start_gather(1)
        drain(0)
        i0a, i0b = idx_copy(c0 + 2, 0)
        g1.wait()
        i0a.wait(); i0b.wait()
        g0 = start_gather(0)
        drain(1)
        i1a, i1b = idx_copy(jnp.minimum(c0 + 3, jnp.int32(NCHUNK - 1)), 1)
        i1a.wait(); i1b.wait()
        g0.wait()
        return carry

    lax.fori_loop(jnp.int32(0), jnp.int32((NCHUNK - 1) // 2), two_chunks,
                  jnp.int32(0))
    drain(0)
    plsc.subcore_barrier()

    for k in range(FULL):
        pltpu.sync_copy(sum_acc.at[pl.ds(row0 + k * CH, CH)], rows0_v)
        pltpu.sync_copy(rows0_v,
                        sum_out.at[cid, pl.ds(row0 + k * CH, CH)])
    pltpu.sync_copy(cnt_v, cnt_out.at[wid])


_sc_agg = pl.kernel(
    _sc_agg_body,
    out_type=(
        jax.ShapeDtypeStruct((NC, NA, D), jnp.float32),
        jax.ShapeDtypeStruct((NW, 1, NA), jnp.float32),
    ),
    mesh=plsc.VectorSubcoreMesh(core_axis_name="c", subcore_axis_name="s"),
    compiler_params=pltpu.CompilerParams(needs_layout_passes=False),
    scratch_types=[
        pltpu.VMEM_SHARED((NA, D), jnp.float32),
        pltpu.VMEM((CH,), jnp.int32),
        pltpu.VMEM((CH,), jnp.int32),
        pltpu.VMEM((CH,), jnp.int32),
        pltpu.VMEM((CH,), jnp.int32),
        pltpu.VMEM((CH, D), jnp.float32),
        pltpu.VMEM((CH, D), jnp.float32),
        pltpu.VMEM((1, NA), jnp.float32),
        pltpu.SemaphoreType.DMA,
        pltpu.SemaphoreType.DMA,
        pltpu.SemaphoreType.DMA,
        pltpu.SemaphoreType.DMA,
    ],
)


BLK = 640


def _zi():
    return jnp.int32(0)


def _tc_finish_body(s_ref, c_ref, w_ref, o_ref):
    s = s_ref[0] + s_ref[1]
    c = jnp.sum(c_ref[...], axis=(0, 1))
    mean = s / jnp.maximum(c, 1.0)[:, None]
    o_ref[...] = lax.dot_general(
        mean, w_ref[...], (((1,), (1,)), ((), ())),
        preferred_element_type=jnp.float32)


_tc_finish = pl.pallas_call(
    _tc_finish_body,
    grid=(NA // BLK,),
    in_specs=[
        pl.BlockSpec((NC, BLK, D), lambda i: (_zi(), i, _zi())),
        pl.BlockSpec((NW, 1, BLK), lambda i: (_zi(), _zi(), i)),
        pl.BlockSpec((H, D), lambda i: (_zi(), _zi())),
    ],
    out_specs=pl.BlockSpec((BLK, H), lambda i: (i, _zi())),
    out_shape=jax.ShapeDtypeStruct((NA, H), jnp.float32),
)


def kernel(x, edge_index, W):
    src = edge_index[0].astype(jnp.int32)
    dst = edge_index[1].astype(jnp.int32)
    x = x.astype(jnp.float32)
    z128 = jnp.zeros((CH, D), jnp.float32)
    zn = jnp.zeros((1, NA), jnp.float32)
    sums, cnts = _sc_agg(x, src, dst, z128, zn)
    out = _tc_finish(sums, cnts, W.astype(jnp.float32))
    return out[:N].astype(jnp.float64)

# --- scband reference (transcript-rebuilt; emitter-appended) ---
"""Pipeline reference for scband-graph-sage-22351009808410 (READ-ONLY COPY).

The authoritative reference and input builder live on the scoring server;
editing this copy changes nothing except your own understanding.
"""

import jax
jax.config.update("jax_enable_x64", True)
import jax.numpy as jnp
import numpy as np

N = 10000
E = 320000
D = 128
H = 128


def setup_inputs(seed: int = 0) -> dict:
    key = jax.random.key(seed)
    k1, k2, k3 = jax.random.split(key, 3)
    x = jax.random.normal(k1, (N, D), dtype=jnp.float32)
    edge_index = jax.random.randint(k2, (2, E), 0, N, dtype=jnp.int64)
    # SAGEConv lin_l weight (out=H, in=D), no bias, no root weight
    W = jax.random.normal(k3, (H, D), dtype=jnp.float32) * (1.0 / np.sqrt(D))
    return {"x": x, "edge_index": edge_index, "W": W}


def reference(x, edge_index, W):
    # GraphSAGE single SAGEConv(aggr='mean', bias=False, root_weight=False)
    src = edge_index[0]
    dst = edge_index[1]
    # message: gather source node features per edge
    msgs = jnp.take(x, src, axis=0)
    # mean aggregation by destination node (scatter-add + count)
    summed = jax.ops.segment_sum(msgs, dst, num_segments=N)
    cnt = jax.ops.segment_sum(jnp.ones((E,), dtype=x.dtype), dst, num_segments=N)
    mean_aggr = summed / jnp.maximum(cnt, 1.0)[:, None]
    # lin_l projection (no bias, no root term)
    out = mean_aggr @ W.T
    return out

if __name__ == "__main__":
    import jax
    _d = setup_inputs()
    print(jax.jit(kernel)(*tuple(_d.values())))

</pallas_src>

<mosaic_0001>
#map = affine_map<(d0, d1) -> (0, 0)>
#map1 = affine_map<(d0, d1) -> (0)>
#map2 = affine_map<(d0, d1) -> (0, 0, 0)>
module attributes {stable_mosaic.version = 14 : i64} {
  func.func @_sc_agg_body(%arg0: i32, %arg1: i32, %arg2: memref<10000x128xf32, #tpu.memory_space<hbm>>, %arg3: memref<320000xi32, #tpu.memory_space<hbm>>, %arg4: memref<320000xi32, #tpu.memory_space<hbm>>, %arg5: memref<80x128xf32, #tpu.memory_space<hbm>>, %arg6: memref<1x10240xf32, #tpu.memory_space<hbm>>, %arg7: memref<2x10240x128xf32, #tpu.memory_space<hbm>>, %arg8: memref<32x1x10240xf32, #tpu.memory_space<hbm>>, %arg9: memref<10240x128xf32, #tpu.memory_space<vmem_shared>>, %arg10: memref<80xi32, #tpu.memory_space<vmem>>, %arg11: memref<80xi32, #tpu.memory_space<vmem>>, %arg12: memref<80xi32, #tpu.memory_space<vmem>>, %arg13: memref<80xi32, #tpu.memory_space<vmem>>, %arg14: memref<80x128xf32, #tpu.memory_space<vmem>>, %arg15: memref<80x128xf32, #tpu.memory_space<vmem>>, %arg16: memref<1x10240xf32, #tpu.memory_space<vmem>>, %arg17: memref<!tpu.dma_semaphore, #tpu.memory_space<semaphore_mem>>, %arg18: memref<!tpu.dma_semaphore, #tpu.memory_space<semaphore_mem>>, %arg19: memref<!tpu.dma_semaphore, #tpu.memory_space<semaphore_mem>>, %arg20: memref<!tpu.dma_semaphore, #tpu.memory_space<semaphore_mem>>) attributes {dimension_semantics = [#tpu.dimension_semantics<core_parallel>, #tpu.dimension_semantics<subcore_parallel>], iteration_bounds = array<i64: 2, 16>, scalar_prefetch = 0 : i64, scratch_operands = 12 : i64, tpu.core_type = #tpu.core_type<sc_vector_subcore>, window_params = [{transform_indices = #map}, {transform_indices = #map1}, {transform_indices = #map1}, {transform_indices = #map}, {transform_indices = #map}, {transform_indices = #map2}, {transform_indices = #map2}]} {
    %mul3A = arith.constant 640 : i32
    %mul3A_0 = arith.muli %arg1, %mul3A : i32
    %mul3A_1 = arith.constant 16 : i32
    %mul3A_2 = arith.muli %arg0, %mul3A_1 : i32
    %add3A = arith.addi %mul3A_2, %arg1 : i32
    %mul3A_3 = arith.constant 10000 : i32
    %mul3A_4 = arith.muli %add3A, %mul3A_3 : i32
    "tpu.region"() ({
      %run_scoped3A = tpu.sem_alloc : memref<!tpu.dma_semaphore, #tpu.memory_space<semaphore_mem>>
      tpu.enqueue_dma source(%arg5 : memref<80x128xf32, #tpu.memory_space<hbm>>) target(%arg14 : memref<80x128xf32, #tpu.memory_space<vmem>>) target_semaphore(%run_scoped3A : memref<!tpu.dma_semaphore, #tpu.memory_space<semaphore_mem>>)
      tpu.wait_dma2 semaphore(%run_scoped3A : memref<!tpu.dma_semaphore, #tpu.memory_space<semaphore_mem>>) src(%arg5 : memref<80x128xf32, #tpu.memory_space<hbm>>) dst(%arg14 : memref<80x128xf32, #tpu.memory_space<vmem>>)
      tpu.yield
    }) : () -> ()
    "tpu.region"() ({
      %run_scoped3A = tpu.sem_alloc : memref<!tpu.dma_semaphore, #tpu.memory_space<semaphore_mem>>
      tpu.enqueue_dma source(%arg6 : memref<1x10240xf32, #tpu.memory_space<hbm>>) target(%arg16 : memref<1x10240xf32, #tpu.memory_space<vmem>>) target_semaphore(%run_scoped3A : memref<!tpu.dma_semaphore, #tpu.memory_space<semaphore_mem>>)
      tpu.wait_dma2 semaphore(%run_scoped3A : memref<!tpu.dma_semaphore, #tpu.memory_space<semaphore_mem>>) src(%arg6 : memref<1x10240xf32, #tpu.memory_space<hbm>>) dst(%arg16 : memref<1x10240xf32, #tpu.memory_space<vmem>>)
      tpu.yield
    }) : () -> ()
    %add3A_5 = arith.constant 0 : i32
    %add3A_6 = arith.addi %mul3A_0, %add3A_5 : i32
    "tpu.region"() ({
      %run_scoped3A = tpu.sem_alloc : memref<!tpu.dma_semaphore, #tpu.memory_space<semaphore_mem>>
      %dma_start3A_110 = arith.constant 0 : i32
      %dma_start3A_111 = tpu.memref_slice %arg9[%add3A_6, %dma_start3A_110] : memref<10240x128xf32, #tpu.memory_space<vmem_shared>> -> memref<80x128xf32, #tpu.memory_space<vmem_shared>>
      %dma_start3A_112 = arith.constant 0 : i32
      %dma_start3A_113 = tpu.memref_slice %arg9[%add3A_6, %dma_start3A_112] : memref<10240x128xf32, #tpu.memory_space<vmem_shared>> -> memref<80x128xf32, #tpu.memory_space<vmem_shared>>
      tpu.enqueue_dma source(%arg14 : memref<80x128xf32, #tpu.memory_space<vmem>>) target(%dma_start3A_113 : memref<80x128xf32, #tpu.memory_space<vmem_shared>>) target_semaphore(%run_scoped3A : memref<!tpu.dma_semaphore, #tpu.memory_space<semaphore_mem>>)
      %dma_wait3A_114 = arith.constant 0 : i32
      %dma_wait3A_115 = tpu.memref_slice %arg9[%add3A_6, %dma_wait3A_114] : memref<10240x128xf32, #tpu.memory_space<vmem_shared>> -> memref<80x128xf32, #tpu.memory_space<vmem_shared>>
      %dma_wait3A_116 = arith.constant 0 : i32
      %dma_wait3A_117 = tpu.memref_slice %arg9[%add3A_6, %dma_wait3A_116] : memref<10240x128xf32, #tpu.memory_space<vmem_shared>> -> memref<80x128xf32, #tpu.memory_space<vmem_shared>>
      tpu.wait_dma2 semaphore(%run_scoped3A : memref<!tpu.dma_semaphore, #tpu.memory_space<semaphore_mem>>) src(%arg14 : memref<80x128xf32, #tpu.memory_space<vmem>>) dst(%dma_wait3A_117 : memref<80x128xf32, #tpu.memory_space<vmem_shared>>)
      tpu.yield
    }) : () -> ()
    %add3A_7 = arith.constant 80 : i32
    %add3A_8 = arith.addi %mul3A_0, %add3A_7 : i32
    "tpu.region"() ({
      %run_scoped3A = tpu.sem_alloc : memref<!tpu.dma_semaphore, #tpu.memory_space<semaphore_mem>>
      %dma_start3A_110 = arith.constant 0 : i32
      %dma_start3A_111 = tpu.memref_slice %arg9[%add3A_8, %dma_start3A_110] : memref<10240x128xf32, #tpu.memory_space<vmem_shared>> -> memref<80x128xf32, #tpu.memory_space<vmem_shared>>
      %dma_start3A_112 = arith.constant 0 : i32
      %dma_start3A_113 = tpu.memref_slice %arg9[%add3A_8, %dma_start3A_112] : memref<10240x128xf32, #tpu.memory_space<vmem_shared>> -> memref<80x128xf32, #tpu.memory_space<vmem_shared>>
      tpu.enqueue_dma source(%arg14 : memref<80x128xf32, #tpu.memory_space<vmem>>) target(%dma_start3A_113 : memref<80x128xf32, #tpu.memory_space<vmem_shared>>) target_semaphore(%run_scoped3A : memref<!tpu.dma_semaphore, #tpu.memory_space<semaphore_mem>>)
      %dma_wait3A_114 = arith.constant 0 : i32
      %dma_wait3A_115 = tpu.memref_slice %arg9[%add3A_8, %dma_wait3A_114] : memref<10240x128xf32, #tpu.memory_space<vmem_shared>> -> memref<80x128xf32, #tpu.memory_space<vmem_shared>>
      %dma_wait3A_116 = arith.constant 0 : i32
      %dma_wait3A_117 = tpu.memref_slice %arg9[%add3A_8, %dma_wait3A_116] : memref<10240x128xf32, #tpu.memory_space<vmem_shared>> -> memref<80x128xf32, #tpu.memory_space<vmem_shared>>
      tpu.wait_dma2 semaphore(%run_scoped3A : memref<!tpu.dma_semaphore, #tpu.memory_space<semaphore_mem>>) src(%arg14 : memref<80x128xf32, #tpu.memory_space<vmem>>) dst(%dma_wait3A_117 : memref<80x128xf32, #tpu.memory_space<vmem_shared>>)
      tpu.yield
    }) : () -> ()
    %add3A_9 = arith.constant 160 : i32
    %add3A_10 = arith.addi %mul3A_0, %add3A_9 : i32
    "tpu.region"() ({
      %run_scoped3A = tpu.sem_alloc : memref<!tpu.dma_semaphore, #tpu.memory_space<semaphore_mem>>
      %dma_start3A_110 = arith.constant 0 : i32
      %dma_start3A_111 = tpu.memref_slice %arg9[%add3A_10, %dma_start3A_110] : memref<10240x128xf32, #tpu.memory_space<vmem_shared>> -> memref<80x128xf32, #tpu.memory_space<vmem_shared>>
      %dma_start3A_112 = arith.constant 0 : i32
      %dma_start3A_113 = tpu.memref_slice %arg9[%add3A_10, %dma_start3A_112] : memref<10240x128xf32, #tpu.memory_space<vmem_shared>> -> memref<80x128xf32, #tpu.memory_space<vmem_shared>>
      tpu.enqueue_dma source(%arg14 : memref<80x128xf32, #tpu.memory_space<vmem>>) target(%dma_start3A_113 : memref<80x128xf32, #tpu.memory_space<vmem_shared>>) target_semaphore(%run_scoped3A : memref<!tpu.dma_semaphore, #tpu.memory_space<semaphore_mem>>)
      %dma_wait3A_114 = arith.constant 0 : i32
      %dma_wait3A_115 = tpu.memref_slice %arg9[%add3A_10, %dma_wait3A_114] : memref<10240x128xf32, #tpu.memory_space<vmem_shared>> -> memref<80x128xf32, #tpu.memory_space<vmem_shared>>
      %dma_wait3A_116 = arith.constant 0 : i32
      %dma_wait3A_117 = tpu.memref_slice %arg9[%add3A_10, %dma_wait3A_116] : memref<10240x128xf32, #tpu.memory_space<vmem_shared>> -> memref<80x128xf32, #tpu.memory_space<vmem_shared>>
      tpu.wait_dma2 semaphore(%run_scoped3A : memref<!tpu.dma_semaphore, #tpu.memory_space<semaphore_mem>>) src(%arg14 : memref<80x128xf32, #tpu.memory_space<vmem>>) dst(%dma_wait3A_117 : memref<80x128xf32, #tpu.memory_space<vmem_shared>>)
      tpu.yield
    }) : () -> ()
    %add3A_11 = arith.constant 240 : i32
    %add3A_12 = arith.addi %mul3A_0, %add3A_11 : i32
    "tpu.region"() ({
      %run_scoped3A = tpu.sem_alloc : memref<!tpu.dma_semaphore, #tpu.memory_space<semaphore_mem>>
      %dma_start3A_110 = arith.constant 0 : i32
      %dma_start3A_111 = tpu.memref_slice %arg9[%add3A_12, %dma_start3A_110] : memref<10240x128xf32, #tpu.memory_space<vmem_shared>> -> memref<80x128xf32, #tpu.memory_space<vmem_shared>>
      %dma_start3A_112 = arith.constant 0 : i32
      %dma_start3A_113 = tpu.memref_slice %arg9[%add3A_12, %dma_start3A_112] : memref<10240x128xf32, #tpu.memory_space<vmem_shared>> -> memref<80x128xf32, #tpu.memory_space<vmem_shared>>
      tpu.enqueue_dma source(%arg14 : memref<80x128xf32, #tpu.memory_space<vmem>>) target(%dma_start3A_113 : memref<80x128xf32, #tpu.memory_space<vmem_shared>>) target_semaphore(%run_scoped3A : memref<!tpu.dma_semaphore, #tpu.memory_space<semaphore_mem>>)
      %dma_wait3A_114 = arith.constant 0 : i32
      %dma_wait3A_115 = tpu.memref_slice %arg9[%add3A_12, %dma_wait3A_114] : memref<10240x128xf32, #tpu.memory_space<vmem_shared>> -> memref<80x128xf32, #tpu.memory_space<vmem_shared>>
      %dma_wait3A_116 = arith.constant 0 : i32
      %dma_wait3A_117 = tpu.memref_slice %arg9[%add3A_12, %dma_wait3A_116] : memref<10240x128xf32, #tpu.memory_space<vmem_shared>> -> memref<80x128xf32, #tpu.memory_space<vmem_shared>>
      tpu.wait_dma2 semaphore(%run_scoped3A : memref<!tpu.dma_semaphore, #tpu.memory_space<semaphore_mem>>) src(%arg14 : memref<80x128xf32, #tpu.memory_space<vmem>>) dst(%dma_wait3A_117 : memref<80x128xf32, #tpu.memory_space<vmem_shared>>)
      tpu.yield
    }) : () -> ()
    %add3A_13 = arith.constant 320 : i32
    %add3A_14 = arith.addi %mul3A_0, %add3A_13 : i32
    "tpu.region"() ({
      %run_scoped3A = tpu.sem_alloc : memref<!tpu.dma_semaphore, #tpu.memory_space<semaphore_mem>>
      %dma_start3A_110 = arith.constant 0 : i32
      %dma_start3A_111 = tpu.memref_slice %arg9[%add3A_14, %dma_start3A_110] : memref<10240x128xf32, #tpu.memory_space<vmem_shared>> -> memref<80x128xf32, #tpu.memory_space<vmem_shared>>
      %dma_start3A_112 = arith.constant 0 : i32
      %dma_start3A_113 = tpu.memref_slice %arg9[%add3A_14, %dma_start3A_112] : memref<10240x128xf32, #tpu.memory_space<vmem_shared>> -> memref<80x128xf32, #tpu.memory_space<vmem_shared>>
      tpu.enqueue_dma source(%arg14 : memref<80x128xf32, #tpu.memory_space<vmem>>) target(%dma_start3A_113 : memref<80x128xf32, #tpu.memory_space<vmem_shared>>) target_semaphore(%run_scoped3A : memref<!tpu.dma_semaphore, #tpu.memory_space<semaphore_mem>>)
      %dma_wait3A_114 = arith.constant 0 : i32
      %dma_wait3A_115 = tpu.memref_slice %arg9[%add3A_14, %dma_wait3A_114] : memref<10240x128xf32, #tpu.memory_space<vmem_shared>> -> memref<80x128xf32, #tpu.memory_space<vmem_shared>>
      %dma_wait3A_116 = arith.constant 0 : i32
      %dma_wait3A_117 = tpu.memref_slice %arg9[%add3A_14, %dma_wait3A_116] : memref<10240x128xf32, #tpu.memory_space<vmem_shared>> -> memref<80x128xf32, #tpu.memory_space<vmem_shared>>
      tpu.wait_dma2 semaphore(%run_scoped3A : memref<!tpu.dma_semaphore, #tpu.memory_space<semaphore_mem>>) src(%arg14 : memref<80x128xf32, #tpu.memory_space<vmem>>) dst(%dma_wait3A_117 : memref<80x128xf32, #tpu.memory_space<vmem_shared>>)
      tpu.yield
    }) : () -> ()
    %add3A_15 = arith.constant 400 : i32
    %add3A_16 = arith.addi %mul3A_0, %add3A_15 : i32
    "tpu.region"() ({
      %run_scoped3A = tpu.sem_alloc : memref<!tpu.dma_semaphore, #tpu.memory_space<semaphore_mem>>
      %dma_start3A_110 = arith.constant 0 : i32
      %dma_start3A_111 = tpu.memref_slice %arg9[%add3A_16, %dma_start3A_110] : memref<10240x128xf32, #tpu.memory_space<vmem_shared>> -> memref<80x128xf32, #tpu.memory_space<vmem_shared>>
      %dma_start3A_112 = arith.constant 0 : i32
      %dma_start3A_113 = tpu.memref_slice %arg9[%add3A_16, %dma_start3A_112] : memref<10240x128xf32, #tpu.memory_space<vmem_shared>> -> memref<80x128xf32, #tpu.memory_space<vmem_shared>>
      tpu.enqueue_dma source(%arg14 : memref<80x128xf32, #tpu.memory_space<vmem>>) target(%dma_start3A_113 : memref<80x128xf32, #tpu.memory_space<vmem_shared>>) target_semaphore(%run_scoped3A : memref<!tpu.dma_semaphore, #tpu.memory_space<semaphore_mem>>)
      %dma_wait3A_114 = arith.constant 0 : i32
      %dma_wait3A_115 = tpu.memref_slice %arg9[%add3A_16, %dma_wait3A_114] : memref<10240x128xf32, #tpu.memory_space<vmem_shared>> -> memref<80x128xf32, #tpu.memory_space<vmem_shared>>
      %dma_wait3A_116 = arith.constant 0 : i32
      %dma_wait3A_117 = tpu.memref_slice %arg9[%add3A_16, %dma_wait3A_116] : memref<10240x128xf32, #tpu.memory_space<vmem_shared>> -> memref<80x128xf32, #tpu.memory_space<vmem_shared>>
      tpu.wait_dma2 semaphore(%run_scoped3A : memref<!tpu.dma_semaphore, #tpu.memory_space<semaphore_mem>>) src(%arg14 : memref<80x128xf32, #tpu.memory_space<vmem>>) dst(%dma_wait3A_117 : memref<80x128xf32, #tpu.memory_space<vmem_shared>>)
      tpu.yield
    }) : () -> ()
    %add3A_17 = arith.constant 480 : i32
    %add3A_18 = arith.addi %mul3A_0, %add3A_17 : i32
    "tpu.region"() ({
      %run_scoped3A = tpu.sem_alloc : memref<!tpu.dma_semaphore, #tpu.memory_space<semaphore_mem>>
      %dma_start3A_110 = arith.constant 0 : i32
      %dma_start3A_111 = tpu.memref_slice %arg9[%add3A_18, %dma_start3A_110] : memref<10240x128xf32, #tpu.memory_space<vmem_shared>> -> memref<80x128xf32, #tpu.memory_space<vmem_shared>>
      %dma_start3A_112 = arith.constant 0 : i32
      %dma_start3A_113 = tpu.memref_slice %arg9[%add3A_18, %dma_start3A_112] : memref<10240x128xf32, #tpu.memory_space<vmem_shared>> -> memref<80x128xf32, #tpu.memory_space<vmem_shared>>
      tpu.enqueue_dma source(%arg14 : memref<80x128xf32, #tpu.memory_space<vmem>>) target(%dma_start3A_113 : memref<80x128xf32, #tpu.memory_space<vmem_shared>>) target_semaphore(%run_scoped3A : memref<!tpu.dma_semaphore, #tpu.memory_space<semaphore_mem>>)
      %dma_wait3A_114 = arith.constant 0 : i32
      %dma_wait3A_115 = tpu.memref_slice %arg9[%add3A_18, %dma_wait3A_114] : memref<10240x128xf32, #tpu.memory_space<vmem_shared>> -> memref<80x128xf32, #tpu.memory_space<vmem_shared>>
      %dma_wait3A_116 = arith.constant 0 : i32
      %dma_wait3A_117 = tpu.memref_slice %arg9[%add3A_18, %dma_wait3A_116] : memref<10240x128xf32, #tpu.memory_space<vmem_shared>> -> memref<80x128xf32, #tpu.memory_space<vmem_shared>>
      tpu.wait_dma2 semaphore(%run_scoped3A : memref<!tpu.dma_semaphore, #tpu.memory_space<semaphore_mem>>) src(%arg14 : memref<80x128xf32, #tpu.memory_space<vmem>>) dst(%dma_wait3A_117 : memref<80x128xf32, #tpu.memory_space<vmem_shared>>)
      tpu.yield
    }) : () -> ()
    %add3A_19 = arith.constant 560 : i32
    %add3A_20 = arith.addi %mul3A_0, %add3A_19 : i32
    "tpu.region"() ({
      %run_scoped3A = tpu.sem_alloc : memref<!tpu.dma_semaphore, #tpu.memory_space<semaphore_mem>>
      %dma_start3A_110 = arith.constant 0 : i32
      %dma_start3A_111 = tpu.memref_slice %arg9[%add3A_20, %dma_start3A_110] : memref<10240x128xf32, #tpu.memory_space<vmem_shared>> -> memref<80x128xf32, #tpu.memory_space<vmem_shared>>
      %dma_start3A_112 = arith.constant 0 : i32
      %dma_start3A_113 = tpu.memref_slice %arg9[%add3A_20, %dma_start3A_112] : memref<10240x128xf32, #tpu.memory_space<vmem_shared>> -> memref<80x128xf32, #tpu.memory_space<vmem_shared>>
      tpu.enqueue_dma source(%arg14 : memref<80x128xf32, #tpu.memory_space<vmem>>) target(%dma_start3A_113 : memref<80x128xf32, #tpu.memory_space<vmem_shared>>) target_semaphore(%run_scoped3A : memref<!tpu.dma_semaphore, #tpu.memory_space<semaphore_mem>>)
      %dma_wait3A_114 = arith.constant 0 : i32
      %dma_wait3A_115 = tpu.memref_slice %arg9[%add3A_20, %dma_wait3A_114] : memref<10240x128xf32, #tpu.memory_space<vmem_shared>> -> memref<80x128xf32, #tpu.memory_space<vmem_shared>>
      %dma_wait3A_116 = arith.constant 0 : i32
      %dma_wait3A_117 = tpu.memref_slice %arg9[%add3A_20, %dma_wait3A_116] : memref<10240x128xf32, #tpu.memory_space<vmem_shared>> -> memref<80x128xf32, #tpu.memory_space<vmem_shared>>
      tpu.wait_dma2 semaphore(%run_scoped3A : memref<!tpu.dma_semaphore, #tpu.memory_space<semaphore_mem>>) src(%arg14 : memref<80x128xf32, #tpu.memory_space<vmem>>) dst(%dma_wait3A_117 : memref<80x128xf32, #tpu.memory_space<vmem_shared>>)
      tpu.yield
    }) : () -> ()
    %barrier3A = arith.constant 0 : index
    tpu.barrier barrier_id(%barrier3A)
    %broadcast_in_dim3A = arith.constant 1.000000e+00 : f32
    %broadcast_in_dim3A_21 = vector.broadcast %broadcast_in_dim3A : f32 to vector<16xf32>
    %broadcast_in_dim3A_22 = arith.constant 0 : i32
    %broadcast_in_dim3A_23 = vector.broadcast %broadcast_in_dim3A_22 : i32 to vector<16xi32>
    %mul3A_24 = arith.constant 0 : i32
    %mul3A_25 = arith.constant 80 : i32
    %mul3A_26 = arith.muli %mul3A_24, %mul3A_25 : i32
    %add3A_27 = arith.addi %mul3A_4, %mul3A_26 : i32
    %dma_start3A = tpu.memref_slice %arg3[%add3A_27] : memref<320000xi32, #tpu.memory_space<hbm>> -> memref<80xi32, #tpu.memory_space<hbm>>
    %dma_start3A_28 = tpu.memref_slice %arg3[%add3A_27] : memref<320000xi32, #tpu.memory_space<hbm>> -> memref<80xi32, #tpu.memory_space<hbm>>
    tpu.enqueue_dma source(%dma_start3A_28 : memref<80xi32, #tpu.memory_space<hbm>>) target(%arg10 : memref<80xi32, #tpu.memory_space<vmem>>) target_semaphore(%arg19 : memref<!tpu.dma_semaphore, #tpu.memory_space<semaphore_mem>>)
    %dma_start3A_29 = tpu.memref_slice %arg4[%add3A_27] : memref<320000xi32, #tpu.memory_space<hbm>> -> memref<80xi32, #tpu.memory_space<hbm>>
    %dma_start3A_30 = tpu.memref_slice %arg4[%add3A_27] : memref<320000xi32, #tpu.memory_space<hbm>> -> memref<80xi32, #tpu.memory_space<hbm>>
    tpu.enqueue_dma source(%dma_start3A_30 : memref<80xi32, #tpu.memory_space<hbm>>) target(%arg12 : memref<80xi32, #tpu.memory_space<vmem>>) target_semaphore(%arg19 : memref<!tpu.dma_semaphore, #tpu.memory_space<semaphore_mem>>)
    %dma_wait3A = tpu.memref_slice %arg3[%add3A_27] : memref<320000xi32, #tpu.memory_space<hbm>> -> memref<80xi32, #tpu.memory_space<hbm>>
    %dma_wait3A_31 = tpu.memref_slice %arg3[%add3A_27] : memref<320000xi32, #tpu.memory_space<hbm>> -> memref<80xi32, #tpu.memory_space<hbm>>
    tpu.wait_dma2 semaphore(%arg19 : memref<!tpu.dma_semaphore, #tpu.memory_space<semaphore_mem>>) src(%dma_wait3A_31 : memref<80xi32, #tpu.memory_space<hbm>>) dst(%arg10 : memref<80xi32, #tpu.memory_space<vmem>>)
    %dma_wait3A_32 = tpu.memref_slice %arg4[%add3A_27] : memref<320000xi32, #tpu.memory_space<hbm>> -> memref<80xi32, #tpu.memory_space<hbm>>
    %dma_wait3A_33 = tpu.memref_slice %arg4[%add3A_27] : memref<320000xi32, #tpu.memory_space<hbm>> -> memref<80xi32, #tpu.memory_space<hbm>>
    tpu.wait_dma2 semaphore(%arg19 : memref<!tpu.dma_semaphore, #tpu.memory_space<semaphore_mem>>) src(%dma_wait3A_33 : memref<80xi32, #tpu.memory_space<hbm>>) dst(%arg12 : memref<80xi32, #tpu.memory_space<vmem>>)
    %dma_start3A_34 = arith.constant 0 : i32
    %dma_start3A_35 = arith.constant 0 : i32
    %dma_start3A_36 = tpu.memref_slice %arg2[%dma_start3A_34, %dma_start3A_35] : memref<10000x128xf32, #tpu.memory_space<hbm>> -> memref<10000x128xf32, #tpu.memory_space<hbm>>
    tpu.enqueue_indirect_dma source(%dma_start3A_36 : memref<10000x128xf32, #tpu.memory_space<hbm>>) target(%arg14 : memref<80x128xf32, #tpu.memory_space<vmem>>) offsets(%arg10 : memref<80xi32, #tpu.memory_space<vmem>>) semaphore(%arg17 : memref<!tpu.dma_semaphore, #tpu.memory_space<semaphore_mem>>)
    %mul3A_37 = arith.constant 1 : i32
    %mul3A_38 = arith.constant 80 : i32
    %mul3A_39 = arith.muli %mul3A_37, %mul3A_38 : i32
    %add3A_40 = arith.addi %mul3A_4, %mul3A_39 : i32
    %dma_start3A_41 = tpu.memref_slice %arg3[%add3A_40] : memref<320000xi32, #tpu.memory_space<hbm>> -> memref<80xi32, #tpu.memory_space<hbm>>
    %dma_start3A_42 = tpu.memref_slice %arg3[%add3A_40] : memref<320000xi32, #tpu.memory_space<hbm>> -> memref<80xi32, #tpu.memory_space<hbm>>
    tpu.enqueue_dma source(%dma_start3A_42 : memref<80xi32, #tpu.memory_space<hbm>>) target(%arg11 : memref<80xi32, #tpu.memory_space<vmem>>) target_semaphore(%arg20 : memref<!tpu.dma_semaphore, #tpu.memory_space<semaphore_mem>>)
    %dma_start3A_43 = tpu.memref_slice %arg4[%add3A_40] : memref<320000xi32, #tpu.memory_space<hbm>> -> memref<80xi32, #tpu.memory_space<hbm>>
    %dma_start3A_44 = tpu.memref_slice %arg4[%add3A_40] : memref<320000xi32, #tpu.memory_space<hbm>> -> memref<80xi32, #tpu.memory_space<hbm>>
    tpu.enqueue_dma source(%dma_start3A_44 : memref<80xi32, #tpu.memory_space<hbm>>) target(%arg13 : memref<80xi32, #tpu.memory_space<vmem>>) target_semaphore(%arg20 : memref<!tpu.dma_semaphore, #tpu.memory_space<semaphore_mem>>)
    %dma_wait3A_45 = tpu.memref_slice %arg3[%add3A_40] : memref<320000xi32, #tpu.memory_space<hbm>> -> memref<80xi32, #tpu.memory_space<hbm>>
    %dma_wait3A_46 = tpu.memref_slice %arg3[%add3A_40] : memref<320000xi32, #tpu.memory_space<hbm>> -> memref<80xi32, #tpu.memory_space<hbm>>
    tpu.wait_dma2 semaphore(%arg20 : memref<!tpu.dma_semaphore, #tpu.memory_space<semaphore_mem>>) src(%dma_wait3A_46 : memref<80xi32, #tpu.memory_space<hbm>>) dst(%arg11 : memref<80xi32, #tpu.memory_space<vmem>>)
    %dma_wait3A_47 = tpu.memref_slice %arg4[%add3A_40] : memref<320000xi32, #tpu.memory_space<hbm>> -> memref<80xi32, #tpu.memory_space<hbm>>
    %dma_wait3A_48 = tpu.memref_slice %arg4[%add3A_40] : memref<320000xi32, #tpu.memory_space<hbm>> -> memref<80xi32, #tpu.memory_space<hbm>>
    tpu.wait_dma2 semaphore(%arg20 : memref<!tpu.dma_semaphore, #tpu.memory_space<semaphore_mem>>) src(%dma_wait3A_48 : memref<80xi32, #tpu.memory_space<hbm>>) dst(%arg13 : memref<80xi32, #tpu.memory_space<vmem>>)
    %dma_wait3A_49 = arith.constant 0 : i32
    %dma_wait3A_50 = arith.constant 0 : i32
    %dma_wait3A_51 = tpu.memref_slice %arg2[%dma_wait3A_49, %dma_wait3A_50] : memref<10000x128xf32, #tpu.memory_space<hbm>> -> memref<10000x128xf32, #tpu.memory_space<hbm>>
    tpu.wait_indirect_dma semaphore(%arg17 : memref<!tpu.dma_semaphore, #tpu.memory_space<semaphore_mem>>) src(%dma_wait3A_51 : memref<10000x128xf32, #tpu.memory_space<hbm>>) dst(%arg14 : memref<80x128xf32, #tpu.memory_space<vmem>>)
    %while3A = arith.constant 0 : i32
    %while3A_52 = arith.constant 0 : i32
    %while3A_53 = arith.constant 62 : i32
    %while3A_54 = arith.subi %while3A_53, %while3A_52 : i32
    %while3A_55 = arith.addi %while3A_52, %while3A_54 : i32
    %while3A_56 = arith.constant 1 : i32
    %while3A_57 = arith.divsi %while3A_54, %while3A_56 : i32
    %while3A_58 = arith.muli %while3A_57, %while3A_56 : i32
    %while3A_59 = arith.addi %while3A_52, %while3A_58 : i32
    %while3A_60 = arith.constant 1 : i32
    scf.for %while3A_110 = %while3A_52 to %while3A_59 step %while3A_60  : i32 {
      %mul3A_111 = arith.constant 2 : i32
      %mul3A_112 = arith.muli %mul3A_111, %while3A_110 : i32
      %dma_start3A_113 = arith.constant 0 : i32
      %dma_start3A_114 = arith.constant 0 : i32
      %dma_start3A_115 = tpu.memref_slice %arg2[%dma_start3A_113, %dma_start3A_114] : memref<10000x128xf32, #tpu.memory_space<hbm>> -> memref<10000x128xf32, #tpu.memory_space<hbm>>
      tpu.enqueue_indirect_dma source(%dma_start3A_115 : memref<10000x128xf32, #tpu.memory_space<hbm>>) target(%arg15 : memref<80x128xf32, #tpu.memory_space<vmem>>) offsets(%arg11 : memref<80xi32, #tpu.memory_space<vmem>>) semaphore(%arg18 : memref<!tpu.dma_semaphore, #tpu.memory_space<semaphore_mem>>)
      %dma_start3A_116 = arith.constant 0 : i32
      %dma_start3A_117 = arith.constant 0 : i32
      %dma_start3A_118 = tpu.memref_slice %arg9[%dma_start3A_116, %dma_start3A_117] : memref<10240x128xf32, #tpu.memory_space<vmem_shared>> -> memref<10240x128xf32, #tpu.memory_space<vmem_shared>>
      tpu.enqueue_indirect_dma source(%arg14 : memref<80x128xf32, #tpu.memory_space<vmem>>) target(%dma_start3A_118 : memref<10240x128xf32, #tpu.memory_space<vmem_shared>>) offsets(%arg12 : memref<80xi32, #tpu.memory_space<vmem>>) semaphore(%arg17 : memref<!tpu.dma_semaphore, #tpu.memory_space<semaphore_mem>>) {add = true}
      %get3A_119 = arith.constant 0 : index
      %get3A_120 = tpu.vector_load %arg12[%get3A_119] {strides = array<i32>} : memref<80xi32, #tpu.memory_space<vmem>>, vector<16xi32>,
      tpu.vector_store_idx %arg16[%broadcast_in_dim3A_23, %get3A_120], %broadcast_in_dim3A_21 {add = true} : memref<1x10240xf32, #tpu.memory_space<vmem>>[vector<16xi32>, vector<16xi32>], vector<16xf32>,
      %get3A_121 = arith.constant 16 : index
      %get3A_122 = tpu.vector_load %arg12[%get3A_121] {strides = array<i32>} : memref<80xi32, #tpu.memory_space<vmem>>, vector<16xi32>,
      tpu.vector_store_idx %arg16[%broadcast_in_dim3A_23, %get3A_122], %broadcast_in_dim3A_21 {add = true} : memref<1x10240xf32, #tpu.memory_space<vmem>>[vector<16xi32>, vector<16xi32>], vector<16xf32>,
      %get3A_123 = arith.constant 32 : index
      %get3A_124 = tpu.vector_load %arg12[%get3A_123] {strides = array<i32>} : memref<80xi32, #tpu.memory_space<vmem>>, vector<16xi32>,
      tpu.vector_store_idx %arg16[%broadcast_in_dim3A_23, %get3A_124], %broadcast_in_dim3A_21 {add = true} : memref<1x10240xf32, #tpu.memory_space<vmem>>[vector<16xi32>, vector<16xi32>], vector<16xf32>,
      %get3A_125 = arith.constant 48 : index
      %get3A_126 = tpu.vector_load %arg12[%get3A_125] {strides = array<i32>} : memref<80xi32, #tpu.memory_space<vmem>>, vector<16xi32>,
      tpu.vector_store_idx %arg16[%broadcast_in_dim3A_23, %get3A_126], %broadcast_in_dim3A_21 {add = true} : memref<1x10240xf32, #tpu.memory_space<vmem>>[vector<16xi32>, vector<16xi32>], vector<16xf32>,
      %get3A_127 = arith.constant 64 : index
      %get3A_128 = tpu.vector_load %arg12[%get3A_127] {strides = array<i32>} : memref<80xi32, #tpu.memory_space<vmem>>, vector<16xi32>,
      tpu.vector_store_idx %arg16[%broadcast_in_dim3A_23, %get3A_128], %broadcast_in_dim3A_21 {add = true} : memref<1x10240xf32, #tpu.memory_space<vmem>>[vector<16xi32>, vector<16xi32>], vector<16xf32>,
      %dma_wait3A_129 = arith.constant 0 : i32
      %dma_wait3A_130 = arith.constant 0 : i32
      %dma_wait3A_131 = tpu.memref_slice %arg9[%dma_wait3A_129, %dma_wait3A_130] : memref<10240x128xf32, #tpu.memory_space<vmem_shared>> -> memref<10240x128xf32, #tpu.memory_space<vmem_shared>>
      tpu.wait_indirect_dma semaphore(%arg17 : memref<!tpu.dma_semaphore, #tpu.memory_space<semaphore_mem>>) src(%arg14 : memref<80x128xf32, #tpu.memory_space<vmem>>) dst(%dma_wait3A_131 : memref<10240x128xf32, #tpu.memory_space<vmem_shared>>)
      %add3A_132 = arith.constant 2 : i32
      %add3A_133 = arith.addi %mul3A_112, %add3A_132 : i32
      %mul3A_134 = arith.constant 80 : i32
      %mul3A_135 = arith.muli %add3A_133, %mul3A_134 : i32
      %add3A_136 = arith.addi %mul3A_4, %mul3A_135 : i32
      %dma_start3A_137 = tpu.memref_slice %arg3[%add3A_136] : memref<320000xi32, #tpu.memory_space<hbm>> -> memref<80xi32, #tpu.memory_space<hbm>>
      %dma_start3A_138 = tpu.memref_slice %arg3[%add3A_136] : memref<320000xi32, #tpu.memory_space<hbm>> -> memref<80xi32, #tpu.memory_space<hbm>>
      tpu.enqueue_dma source(%dma_start3A_138 : memref<80xi32, #tpu.memory_space<hbm>>) target(%arg10 : memref<80xi32, #tpu.memory_space<vmem>>) target_semaphore(%arg19 : memref<!tpu.dma_semaphore, #tpu.memory_space<semaphore_mem>>)
      %dma_start3A_139 = tpu.memref_slice %arg4[%add3A_136] : memref<320000xi32, #tpu.memory_space<hbm>> -> memref<80xi32, #tpu.memory_space<hbm>>
      %dma_start3A_140 = tpu.memref_slice %arg4[%add3A_136] : memref<320000xi32, #tpu.memory_space<hbm>> -> memref<80xi32, #tpu.memory_space<hbm>>
      tpu.enqueue_dma source(%dma_start3A_140 : memref<80xi32, #tpu.memory_space<hbm>>) target(%arg12 : memref<80xi32, #tpu.memory_space<vmem>>) target_semaphore(%arg19 : memref<!tpu.dma_semaphore, #tpu.memory_space<semaphore_mem>>)
      %dma_wait3A_141 = arith.constant 0 : i32
      %dma_wait3A_142 = arith.constant 0 : i32
      %dma_wait3A_143 = tpu.memref_slice %arg2[%dma_wait3A_141, %dma_wait3A_142] : memref<10000x128xf32, #tpu.memory_space<hbm>> -> memref<10000x128xf32, #tpu.memory_space<hbm>>
      tpu.wait_indirect_dma semaphore(%arg18 : memref<!tpu.dma_semaphore, #tpu.memory_space<semaphore_mem>>) src(%dma_wait3A_143 : memref<10000x128xf32, #tpu.memory_space<hbm>>) dst(%arg15 : memref<80x128xf32, #tpu.memory_space<vmem>>)
      %dma_wait3A_144 = tpu.memref_slice %arg3[%add3A_136] : memref<320000xi32, #tpu.memory_space<hbm>> -> memref<80xi32, #tpu.memory_space<hbm>>
      %dma_wait3A_145 = tpu.memref_slice %arg3[%add3A_136] : memref<320000xi32, #tpu.memory_space<hbm>> -> memref<80xi32, #tpu.memory_space<hbm>>
      tpu.wait_dma2 semaphore(%arg19 : memref<!tpu.dma_semaphore, #tpu.memory_space<semaphore_mem>>) src(%dma_wait3A_145 : memref<80xi32, #tpu.memory_space<hbm>>) dst(%arg10 : memref<80xi32, #tpu.memory_space<vmem>>)
      %dma_wait3A_146 = tpu.memref_slice %arg4[%add3A_136] : memref<320000xi32, #tpu.memory_space<hbm>> -> memref<80xi32, #tpu.memory_space<hbm>>
      %dma_wait3A_147 = tpu.memref_slice %arg4[%add3A_136] : memref<320000xi32, #tpu.memory_space<hbm>> -> memref<80xi32, #tpu.memory_space<hbm>>
      tpu.wait_dma2 semaphore(%arg19 : memref<!tpu.dma_semaphore, #tpu.memory_space<semaphore_mem>>) src(%dma_wait3A_147 : memref<80xi32, #tpu.memory_space<hbm>>) dst(%arg12 : memref<80xi32, #tpu.memory_space<vmem>>)
      %dma_start3A_148 = arith.constant 0 : i32
      %dma_start3A_149 = arith.constant 0 : i32
      %dma_start3A_150 = tpu.memref_slice %arg2[%dma_start3A_148, %dma_start3A_149] : memref<10000x128xf32, #tpu.memory_space<hbm>> -> memref<10000x128xf32, #tpu.memory_space<hbm>>
      tpu.enqueue_indirect_dma source(%dma_start3A_150 : memref<10000x128xf32, #tpu.memory_space<hbm>>) target(%arg14 : memref<80x128xf32, #tpu.memory_space<vmem>>) offsets(%arg10 : memref<80xi32, #tpu.memory_space<vmem>>) semaphore(%arg17 : memref<!tpu.dma_semaphore, #tpu.memory_space<semaphore_mem>>)
      %dma_start3A_151 = arith.constant 0 : i32
      %dma_start3A_152 = arith.constant 0 : i32
      %dma_start3A_153 = tpu.memref_slice %arg9[%dma_start3A_151, %dma_start3A_152] : memref<10240x128xf32, #tpu.memory_space<vmem_shared>> -> memref<10240x128xf32, #tpu.memory_space<vmem_shared>>
      tpu.enqueue_indirect_dma source(%arg15 : memref<80x128xf32, #tpu.memory_space<vmem>>) target(%dma_start3A_153 : memref<10240x128xf32, #tpu.memory_space<vmem_shared>>) offsets(%arg13 : memref<80xi32, #tpu.memory_space<vmem>>) semaphore(%arg18 : memref<!tpu.dma_semaphore, #tpu.memory_space<semaphore_mem>>) {add = true}
      %get3A_154 = arith.constant 0 : index
      %get3A_155 = tpu.vector_load %arg13[%get3A_154] {strides = array<i32>} : memref<80xi32, #tpu.memory_space<vmem>>, vector<16xi32>,
      tpu.vector_store_idx %arg16[%broadcast_in_dim3A_23, %get3A_155], %broadcast_in_dim3A_21 {add = true} : memref<1x10240xf32, #tpu.memory_space<vmem>>[vector<16xi32>, vector<16xi32>], vector<16xf32>,
      %get3A_156 = arith.constant 16 : index
      %get3A_157 = tpu.vector_load %arg13[%get3A_156] {strides = array<i32>} : memref<80xi32, #tpu.memory_space<vmem>>, vector<16xi32>,
      tpu.vector_store_idx %arg16[%broadcast_in_dim3A_23, %get3A_157], %broadcast_in_dim3A_21 {add = true} : memref<1x10240xf32, #tpu.memory_space<vmem>>[vector<16xi32>, vector<16xi32>], vector<16xf32>,
      %get3A_158 = arith.constant 32 : index
      %get3A_159 = tpu.vector_load %arg13[%get3A_158] {strides = array<i32>} : memref<80xi32, #tpu.memory_space<vmem>>, vector<16xi32>,
      tpu.vector_store_idx %arg16[%broadcast_in_dim3A_23, %get3A_159], %broadcast_in_dim3A_21 {add = true} : memref<1x10240xf32, #tpu.memory_space<vmem>>[vector<16xi32>, vector<16xi32>], vector<16xf32>,
      %get3A_160 = arith.constant 48 : index
      %get3A_161 = tpu.vector_load %arg13[%get3A_160] {strides = array<i32>} : memref<80xi32, #tpu.memory_space<vmem>>, vector<16xi32>,
      tpu.vector_store_idx %arg16[%broadcast_in_dim3A_23, %get3A_161], %broadcast_in_dim3A_21 {add = true} : memref<1x10240xf32, #tpu.memory_space<vmem>>[vector<16xi32>, vector<16xi32>], vector<16xf32>,
      %get3A_162 = arith.constant 64 : index
      %get3A_163 = tpu.vector_load %arg13[%get3A_162] {strides = array<i32>} : memref<80xi32, #tpu.memory_space<vmem>>, vector<16xi32>,
      tpu.vector_store_idx %arg16[%broadcast_in_dim3A_23, %get3A_163], %broadcast_in_dim3A_21 {add = true} : memref<1x10240xf32, #tpu.memory_space<vmem>>[vector<16xi32>, vector<16xi32>], vector<16xf32>,
      %dma_wait3A_164 = arith.constant 0 : i32
      %dma_wait3A_165 = arith.constant 0 : i32
      %dma_wait3A_166 = tpu.memref_slice %arg9[%dma_wait3A_164, %dma_wait3A_165] : memref<10240x128xf32, #tpu.memory_space<vmem_shared>> -> memref<10240x128xf32, #tpu.memory_space<vmem_shared>>
      tpu.wait_indirect_dma semaphore(%arg18 : memref<!tpu.dma_semaphore, #tpu.memory_space<semaphore_mem>>) src(%arg15 : memref<80x128xf32, #tpu.memory_space<vmem>>) dst(%dma_wait3A_166 : memref<10240x128xf32, #tpu.memory_space<vmem_shared>>)
      %add3A_167 = arith.constant 3 : i32
      %add3A_168 = arith.addi %mul3A_112, %add3A_167 : i32
      %min3A = arith.constant 124 : i32
      %min3A_169 = arith.minsi %add3A_168, %min3A : i32
      %mul3A_170 = arith.constant 80 : i32
      %mul3A_171 = arith.muli %min3A_169, %mul3A_170 : i32
      %add3A_172 = arith.addi %mul3A_4, %mul3A_171 : i32
      %dma_start3A_173 = tpu.memref_slice %arg3[%add3A_172] : memref<320000xi32, #tpu.memory_space<hbm>> -> memref<80xi32, #tpu.memory_space<hbm>>
      %dma_start3A_174 = tpu.memref_slice %arg3[%add3A_172] : memref<320000xi32, #tpu.memory_space<hbm>> -> memref<80xi32, #tpu.memory_space<hbm>>
      tpu.enqueue_dma source(%dma_start3A_174 : memref<80xi32, #tpu.memory_space<hbm>>) target(%arg11 : memref<80xi32, #tpu.memory_space<vmem>>) target_semaphore(%arg20 : memref<!tpu.dma_semaphore, #tpu.memory_space<semaphore_mem>>)
      %dma_start3A_175 = tpu.memref_slice %arg4[%add3A_172] : memref<320000xi32, #tpu.memory_space<hbm>> -> memref<80xi32, #tpu.memory_space<hbm>>
      %dma_start3A_176 = tpu.memref_slice %arg4[%add3A_172] : memref<320000xi32, #tpu.memory_space<hbm>> -> memref<80xi32, #tpu.memory_space<hbm>>
      tpu.enqueue_dma source(%dma_start3A_176 : memref<80xi32, #tpu.memory_space<hbm>>) target(%arg13 : memref<80xi32, #tpu.memory_space<vmem>>) target_semaphore(%arg20 : memref<!tpu.dma_semaphore, #tpu.memory_space<semaphore_mem>>)
      %dma_wait3A_177 = tpu.memref_slice %arg3[%add3A_172] : memref<320000xi32, #tpu.memory_space<hbm>> -> memref<80xi32, #tpu.memory_space<hbm>>
      %dma_wait3A_178 = tpu.memref_slice %arg3[%add3A_172] : memref<320000xi32, #tpu.memory_space<hbm>> -> memref<80xi32, #tpu.memory_space<hbm>>
      tpu.wait_dma2 semaphore(%arg20 : memref<!tpu.dma_semaphore, #tpu.memory_space<semaphore_mem>>) src(%dma_wait3A_178 : memref<80xi32, #tpu.memory_space<hbm>>) dst(%arg11 : memref<80xi32, #tpu.memory_space<vmem>>)
      %dma_wait3A_179 = tpu.memref_slice %arg4[%add3A_172] : memref<320000xi32, #tpu.memory_space<hbm>> -> memref<80xi32, #tpu.memory_space<hbm>>
      %dma_wait3A_180 = tpu.memref_slice %arg4[%add3A_172] : memref<320000xi32, #tpu.memory_space<hbm>> -> memref<80xi32, #tpu.memory_space<hbm>>
      tpu.wait_dma2 semaphore(%arg20 : memref<!tpu.dma_semaphore, #tpu.memory_space<semaphore_mem>>) src(%dma_wait3A_180 : memref<80xi32, #tpu.memory_space<hbm>>) dst(%arg13 : memref<80xi32, #tpu.memory_space<vmem>>)
      %dma_wait3A_181 = arith.constant 0 : i32
      %dma_wait3A_182 = arith.constant 0 : i32
      %dma_wait3A_183 = tpu.memref_slice %arg2[%dma_wait3A_181, %dma_wait3A_182] : memref<10000x128xf32, #tpu.memory_space<hbm>> -> memref<10000x128xf32, #tpu.memory_space<hbm>>
      tpu.wait_indirect_dma semaphore(%arg17 : memref<!tpu.dma_semaphore, #tpu.memory_space<semaphore_mem>>) src(%dma_wait3A_183 : memref<10000x128xf32, #tpu.memory_space<hbm>>) dst(%arg14 : memref<80x128xf32, #tpu.memory_space<vmem>>)
    }
    %while3A_61 = arith.constant 1 : i32
    scf.for %while3A_110 = %while3A_59 to %while3A_55 step %while3A_61  : i32 {
      %mul3A_111 = arith.constant 2 : i32
      %mul3A_112 = arith.muli %mul3A_111, %while3A_110 : i32
      %dma_start3A_113 = arith.constant 0 : i32
      %dma_start3A_114 = arith.constant 0 : i32
      %dma_start3A_115 = tpu.memref_slice %arg2[%dma_start3A_113, %dma_start3A_114] : memref<10000x128xf32, #tpu.memory_space<hbm>> -> memref<10000x128xf32, #tpu.memory_space<hbm>>
      tpu.enqueue_indirect_dma source(%dma_start3A_115 : memref<10000x128xf32, #tpu.memory_space<hbm>>) target(%arg15 : memref<80x128xf32, #tpu.memory_space<vmem>>) offsets(%arg11 : memref<80xi32, #tpu.memory_space<vmem>>) semaphore(%arg18 : memref<!tpu.dma_semaphore, #tpu.memory_space<semaphore_mem>>)
      %dma_start3A_116 = arith.constant 0 : i32
      %dma_start3A_117 = arith.constant 0 : i32
      %dma_start3A_118 = tpu.memref_slice %arg9[%dma_start3A_116, %dma_start3A_117] : memref<10240x128xf32, #tpu.memory_space<vmem_shared>> -> memref<10240x128xf32, #tpu.memory_space<vmem_shared>>
      tpu.enqueue_indirect_dma source(%arg14 : memref<80x128xf32, #tpu.memory_space<vmem>>) target(%dma_start3A_118 : memref<10240x128xf32, #tpu.memory_space<vmem_shared>>) offsets(%arg12 : memref<80xi32, #tpu.memory_space<vmem>>) semaphore(%arg17 : memref<!tpu.dma_semaphore, #tpu.memory_space<semaphore_mem>>) {add = true}
      %get3A_119 = arith.constant 0 : index
      %get3A_120 = tpu.vector_load %arg12[%get3A_119] {strides = array<i32>} : memref<80xi32, #tpu.memory_space<vmem>>, vector<16xi32>,
      tpu.vector_store_idx %arg16[%broadcast_in_dim3A_23, %get3A_120], %broadcast_in_dim3A_21 {add = true} : memref<1x10240xf32, #tpu.memory_space<vmem>>[vector<16xi32>, vector<16xi32>], vector<16xf32>,
      %get3A_121 = arith.constant 16 : index
      %get3A_122 = tpu.vector_load %arg12[%get3A_121] {strides = array<i32>} : memref<80xi32, #tpu.memory_space<vmem>>, vector<16xi32>,
      tpu.vector_store_idx %arg16[%broadcast_in_dim3A_23, %get3A_122], %broadcast_in_dim3A_21 {add = true} : memref<1x10240xf32, #tpu.memory_space<vmem>>[vector<16xi32>, vector<16xi32>], vector<16xf32>,
      %get3A_123 = arith.constant 32 : index
      %get3A_124 = tpu.vector_load %arg12[%get3A_123] {strides = array<i32>} : memref<80xi32, #tpu.memory_space<vmem>>, vector<16xi32>,
      tpu.vector_store_idx %arg16[%broadcast_in_dim3A_23, %get3A_124], %broadcast_in_dim3A_21 {add = true} : memref<1x10240xf32, #tpu.memory_space<vmem>>[vector<16xi32>, vector<16xi32>], vector<16xf32>,
      %get3A_125 = arith.constant 48 : index
      %get3A_126 = tpu.vector_load %arg12[%get3A_125] {strides = array<i32>} : memref<80xi32, #tpu.memory_space<vmem>>, vector<16xi32>,
      tpu.vector_store_idx %arg16[%broadcast_in_dim3A_23, %get3A_126], %broadcast_in_dim3A_21 {add = true} : memref<1x10240xf32, #tpu.memory_space<vmem>>[vector<16xi32>, vector<16xi32>], vector<16xf32>,
      %get3A_127 = arith.constant 64 : index
      %get3A_128 = tpu.vector_load %arg12[%get3A_127] {strides = array<i32>} : memref<80xi32, #tpu.memory_space<vmem>>, vector<16xi32>,
      tpu.vector_store_idx %arg16[%broadcast_in_dim3A_23, %get3A_128], %broadcast_in_dim3A_21 {add = true} : memref<1x10240xf32, #tpu.memory_space<vmem>>[vector<16xi32>, vector<16xi32>], vector<16xf32>,
      %dma_wait3A_129 = arith.constant 0 : i32
      %dma_wait3A_130 = arith.constant 0 : i32
      %dma_wait3A_131 = tpu.memref_slice %arg9[%dma_wait3A_129, %dma_wait3A_130] : memref<10240x128xf32, #tpu.memory_space<vmem_shared>> -> memref<10240x128xf32, #tpu.memory_space<vmem_shared>>
      tpu.wait_indirect_dma semaphore(%arg17 : memref<!tpu.dma_semaphore, #tpu.memory_space<semaphore_mem>>) src(%arg14 : memref<80x128xf32, #tpu.memory_space<vmem>>) dst(%dma_wait3A_131 : memref<10240x128xf32, #tpu.memory_space<vmem_shared>>)
      %add3A_132 = arith.constant 2 : i32
      %add3A_133 = arith.addi %mul3A_112, %add3A_132 : i32
      %mul3A_134 = arith.constant 80 : i32
      %mul3A_135 = arith.muli %add3A_133, %mul3A_134 : i32
      %add3A_136 = arith.addi %mul3A_4, %mul3A_135 : i32
      %dma_start3A_137 = tpu.memref_slice %arg3[%add3A_136] : memref<320000xi32, #tpu.memory_space<hbm>> -> memref<80xi32, #tpu.memory_space<hbm>>
      %dma_start3A_138 = tpu.memref_slice %arg3[%add3A_136] : memref<320000xi32, #tpu.memory_space<hbm>> -> memref<80xi32, #tpu.memory_space<hbm>>
      tpu.enqueue_dma source(%dma_start3A_138 : memref<80xi32, #tpu.memory_space<hbm>>) target(%arg10 : memref<80xi32, #tpu.memory_space<vmem>>) target_semaphore(%arg19 : memref<!tpu.dma_semaphore, #tpu.memory_space<semaphore_mem>>)
      %dma_start3A_139 = tpu.memref_slice %arg4[%add3A_136] : memref<320000xi32, #tpu.memory_space<hbm>> -> memref<80xi32, #tpu.memory_space<hbm>>
      %dma_start3A_140 = tpu.memref_slice %arg4[%add3A_136] : memref<320000xi32, #tpu.memory_space<hbm>> -> memref<80xi32, #tpu.memory_space<hbm>>
      tpu.enqueue_dma source(%dma_start3A_140 : memref<80xi32, #tpu.memory_space<hbm>>) target(%arg12 : memref<80xi32, #tpu.memory_space<vmem>>) target_semaphore(%arg19 : memref<!tpu.dma_semaphore, #tpu.memory_space<semaphore_mem>>)
      %dma_wait3A_141 = arith.constant 0 : i32
      %dma_wait3A_142 = arith.constant 0 : i32
      %dma_wait3A_143 = tpu.memref_slice %arg2[%dma_wait3A_141, %dma_wait3A_142] : memref<10000x128xf32, #tpu.memory_space<hbm>> -> memref<10000x128xf32, #tpu.memory_space<hbm>>
      tpu.wait_indirect_dma semaphore(%arg18 : memref<!tpu.dma_semaphore, #tpu.memory_space<semaphore_mem>>) src(%dma_wait3A_143 : memref<10000x128xf32, #tpu.memory_space<hbm>>) dst(%arg15 : memref<80x128xf32, #tpu.memory_space<vmem>>)
      %dma_wait3A_144 = tpu.memref_slice %arg3[%add3A_136] : memref<320000xi32, #tpu.memory_space<hbm>> -> memref<80xi32, #tpu.memory_space<hbm>>
      %dma_wait3A_145 = tpu.memref_slice %arg3[%add3A_136] : memref<320000xi32, #tpu.memory_space<hbm>> -> memref<80xi32, #tpu.memory_space<hbm>>
      tpu.wait_dma2 semaphore(%arg19 : memref<!tpu.dma_semaphore, #tpu.memory_space<semaphore_mem>>) src(%dma_wait3A_145 : memref<80xi32, #tpu.memory_space<hbm>>) dst(%arg10 : memref<80xi32, #tpu.memory_space<vmem>>)
      %dma_wait3A_146 = tpu.memref_slice %arg4[%add3A_136] : memref<320000xi32, #tpu.memory_space<hbm>> -> memref<80xi32, #tpu.memory_space<hbm>>
      %dma_wait3A_147 = tpu.memref_slice %arg4[%add3A_136] : memref<320000xi32, #tpu.memory_space<hbm>> -> memref<80xi32, #tpu.memory_space<hbm>>
      tpu.wait_dma2 semaphore(%arg19 : memref<!tpu.dma_semaphore, #tpu.memory_space<semaphore_mem>>) src(%dma_wait3A_147 : memref<80xi32, #tpu.memory_space<hbm>>) dst(%arg12 : memref<80xi32, #tpu.memory_space<vmem>>)
      %dma_start3A_148 = arith.constant 0 : i32
      %dma_start3A_149 = arith.constant 0 : i32
      %dma_start3A_150 = tpu.memref_slice %arg2[%dma_start3A_148, %dma_start3A_149] : memref<10000x128xf32, #tpu.memory_space<hbm>> -> memref<10000x128xf32, #tpu.memory_space<hbm>>
      tpu.enqueue_indirect_dma source(%dma_start3A_150 : memref<10000x128xf32, #tpu.memory_space<hbm>>) target(%arg14 : memref<80x128xf32, #tpu.memory_space<vmem>>) offsets(%arg10 : memref<80xi32, #tpu.memory_space<vmem>>) semaphore(%arg17 : memref<!tpu.dma_semaphore, #tpu.memory_space<semaphore_mem>>)
      %dma_start3A_151 = arith.constant 0 : i32
      %dma_start3A_152 = arith.constant 0 : i32
      %dma_start3A_153 = tpu.memref_slice %arg9[%dma_start3A_151, %dma_start3A_152] : memref<10240x128xf32, #tpu.memory_space<vmem_shared>> -> memref<10240x128xf32, #tpu.memory_space<vmem_shared>>
      tpu.enqueue_indirect_dma source(%arg15 : memref<80x128xf32, #tpu.memory_space<vmem>>) target(%dma_start3A_153 : memref<10240x128xf32, #tpu.memory_space<vmem_shared>>) offsets(%arg13 : memref<80xi32, #tpu.memory_space<vmem>>) semaphore(%arg18 : memref<!tpu.dma_semaphore, #tpu.memory_space<semaphore_mem>>) {add = true}
      %get3A_154 = arith.constant 0 : index
      %get3A_155 = tpu.vector_load %arg13[%get3A_154] {strides = array<i32>} : memref<80xi32, #tpu.memory_space<vmem>>, vector<16xi32>,
      tpu.vector_store_idx %arg16[%broadcast_in_dim3A_23, %get3A_155], %broadcast_in_dim3A_21 {add = true} : memref<1x10240xf32, #tpu.memory_space<vmem>>[vector<16xi32>, vector<16xi32>], vector<16xf32>,
      %get3A_156 = arith.constant 16 : index
      %get3A_157 = tpu.vector_load %arg13[%get3A_156] {strides = array<i32>} : memref<80xi32, #tpu.memory_space<vmem>>, vector<16xi32>,
      tpu.vector_store_idx %arg16[%broadcast_in_dim3A_23, %get3A_157], %broadcast_in_dim3A_21 {add = true} : memref<1x10240xf32, #tpu.memory_space<vmem>>[vector<16xi32>, vector<16xi32>], vector<16xf32>,
      %get3A_158 = arith.constant 32 : index
      %get3A_159 = tpu.vector_load %arg13[%get3A_158] {strides = array<i32>} : memref<80xi32, #tpu.memory_space<vmem>>, vector<16xi32>,
      tpu.vector_store_idx %arg16[%broadcast_in_dim3A_23, %get3A_159], %broadcast_in_dim3A_21 {add = true} : memref<1x10240xf32, #tpu.memory_space<vmem>>[vector<16xi32>, vector<16xi32>], vector<16xf32>,
      %get3A_160 = arith.constant 48 : index
      %get3A_161 = tpu.vector_load %arg13[%get3A_160] {strides = array<i32>} : memref<80xi32, #tpu.memory_space<vmem>>, vector<16xi32>,
      tpu.vector_store_idx %arg16[%broadcast_in_dim3A_23, %get3A_161], %broadcast_in_dim3A_21 {add = true} : memref<1x10240xf32, #tpu.memory_space<vmem>>[vector<16xi32>, vector<16xi32>], vector<16xf32>,
      %get3A_162 = arith.constant 64 : index
      %get3A_163 = tpu.vector_load %arg13[%get3A_162] {strides = array<i32>} : memref<80xi32, #tpu.memory_space<vmem>>, vector<16xi32>,
      tpu.vector_store_idx %arg16[%broadcast_in_dim3A_23, %get3A_163], %broadcast_in_dim3A_21 {add = true} : memref<1x10240xf32, #tpu.memory_space<vmem>>[vector<16xi32>, vector<16xi32>], vector<16xf32>,
      %dma_wait3A_164 = arith.constant 0 : i32
      %dma_wait3A_165 = arith.constant 0 : i32
      %dma_wait3A_166 = tpu.memref_slice %arg9[%dma_wait3A_164, %dma_wait3A_165] : memref<10240x128xf32, #tpu.memory_space<vmem_shared>> -> memref<10240x128xf32, #tpu.memory_space<vmem_shared>>
      tpu.wait_indirect_dma semaphore(%arg18 : memref<!tpu.dma_semaphore, #tpu.memory_space<semaphore_mem>>) src(%arg15 : memref<80x128xf32, #tpu.memory_space<vmem>>) dst(%dma_wait3A_166 : memref<10240x128xf32, #tpu.memory_space<vmem_shared>>)
      %add3A_167 = arith.constant 3 : i32
      %add3A_168 = arith.addi %mul3A_112, %add3A_167 : i32
      %min3A = arith.constant 124 : i32
      %min3A_169 = arith.minsi %add3A_168, %min3A : i32
      %mul3A_170 = arith.constant 80 : i32
      %mul3A_171 = arith.muli %min3A_169, %mul3A_170 : i32
      %add3A_172 = arith.addi %mul3A_4, %mul3A_171 : i32
      %dma_start3A_173 = tpu.memref_slice %arg3[%add3A_172] : memref<320000xi32, #tpu.memory_space<hbm>> -> memref<80xi32, #tpu.memory_space<hbm>>
      %dma_start3A_174 = tpu.memref_slice %arg3[%add3A_172] : memref<320000xi32, #tpu.memory_space<hbm>> -> memref<80xi32, #tpu.memory_space<hbm>>
      tpu.enqueue_dma source(%dma_start3A_174 : memref<80xi32, #tpu.memory_space<hbm>>) target(%arg11 : memref<80xi32, #tpu.memory_space<vmem>>) target_semaphore(%arg20 : memref<!tpu.dma_semaphore, #tpu.memory_space<semaphore_mem>>)
      %dma_start3A_175 = tpu.memref_slice %arg4[%add3A_172] : memref<320000xi32, #tpu.memory_space<hbm>> -> memref<80xi32, #tpu.memory_space<hbm>>
      %dma_start3A_176 = tpu.memref_slice %arg4[%add3A_172] : memref<320000xi32, #tpu.memory_space<hbm>> -> memref<80xi32, #tpu.memory_space<hbm>>
      tpu.enqueue_dma source(%dma_start3A_176 : memref<80xi32, #tpu.memory_space<hbm>>) target(%arg13 : memref<80xi32, #tpu.memory_space<vmem>>) target_semaphore(%arg20 : memref<!tpu.dma_semaphore, #tpu.memory_space<semaphore_mem>>)
      %dma_wait3A_177 = tpu.memref_slice %arg3[%add3A_172] : memref<320000xi32, #tpu.memory_space<hbm>> -> memref<80xi32, #tpu.memory_space<hbm>>
      %dma_wait3A_178 = tpu.memref_slice %arg3[%add3A_172] : memref<320000xi32, #tpu.memory_space<hbm>> -> memref<80xi32, #tpu.memory_space<hbm>>
      tpu.wait_dma2 semaphore(%arg20 : memref<!tpu.dma_semaphore, #tpu.memory_space<semaphore_mem>>) src(%dma_wait3A_178 : memref<80xi32, #tpu.memory_space<hbm>>) dst(%arg11 : memref<80xi32, #tpu.memory_space<vmem>>)
      %dma_wait3A_179 = tpu.memref_slice %arg4[%add3A_172] : memref<320000xi32, #tpu.memory_space<hbm>> -> memref<80xi32, #tpu.memory_space<hbm>>
      %dma_wait3A_180 = tpu.memref_slice %arg4[%add3A_172] : memref<320000xi32, #tpu.memory_space<hbm>> -> memref<80xi32, #tpu.memory_space<hbm>>
      tpu.wait_dma2 semaphore(%arg20 : memref<!tpu.dma_semaphore, #tpu.memory_space<semaphore_mem>>) src(%dma_wait3A_180 : memref<80xi32, #tpu.memory_space<hbm>>) dst(%arg13 : memref<80xi32, #tpu.memory_space<vmem>>)
      %dma_wait3A_181 = arith.constant 0 : i32
      %dma_wait3A_182 = arith.constant 0 : i32
      %dma_wait3A_183 = tpu.memref_slice %arg2[%dma_wait3A_181, %dma_wait3A_182] : memref<10000x128xf32, #tpu.memory_space<hbm>> -> memref<10000x128xf32, #tpu.memory_space<hbm>>
      tpu.wait_indirect_dma semaphore(%arg17 : memref<!tpu.dma_semaphore, #tpu.memory_space<semaphore_mem>>) src(%dma_wait3A_183 : memref<10000x128xf32, #tpu.memory_space<hbm>>) dst(%arg14 : memref<80x128xf32, #tpu.memory_space<vmem>>)
    }
    %dma_start3A_62 = arith.constant 0 : i32
    %dma_start3A_63 = arith.constant 0 : i32
    %dma_start3A_64 = tpu.memref_slice %arg9[%dma_start3A_62, %dma_start3A_63] : memref<10240x128xf32, #tpu.memory_space<vmem_shared>> -> memref<10240x128xf32, #tpu.memory_space<vmem_shared>>
    tpu.enqueue_indirect_dma source(%arg14 : memref<80x128xf32, #tpu.memory_space<vmem>>) target(%dma_start3A_64 : memref<10240x128xf32, #tpu.memory_space<vmem_shared>>) offsets(%arg12 : memref<80xi32, #tpu.memory_space<vmem>>) semaphore(%arg17 : memref<!tpu.dma_semaphore, #tpu.memory_space<semaphore_mem>>) {add = true}
    %get3A = arith.constant 0 : index
    %get3A_65 = tpu.vector_load %arg12[%get3A] {strides = array<i32>} : memref<80xi32, #tpu.memory_space<vmem>>, vector<16xi32>,
    tpu.vector_store_idx %arg16[%broadcast_in_dim3A_23, %get3A_65], %broadcast_in_dim3A_21 {add = true} : memref<1x10240xf32, #tpu.memory_space<vmem>>[vector<16xi32>, vector<16xi32>], vector<16xf32>,
    %get3A_66 = arith.constant 16 : index
    %get3A_67 = tpu.vector_load %arg12[%get3A_66] {strides = array<i32>} : memref<80xi32, #tpu.memory_space<vmem>>, vector<16xi32>,
    tpu.vector_store_idx %arg16[%broadcast_in_dim3A_23, %get3A_67], %broadcast_in_dim3A_21 {add = true} : memref<1x10240xf32, #tpu.memory_space<vmem>>[vector<16xi32>, vector<16xi32>], vector<16xf32>,
    %get3A_68 = arith.constant 32 : index
    %get3A_69 = tpu.vector_load %arg12[%get3A_68] {strides = array<i32>} : memref<80xi32, #tpu.memory_space<vmem>>, vector<16xi32>,
    tpu.vector_store_idx %arg16[%broadcast_in_dim3A_23, %get3A_69], %broadcast_in_dim3A_21 {add = true} : memref<1x10240xf32, #tpu.memory_space<vmem>>[vector<16xi32>, vector<16xi32>], vector<16xf32>,
    %get3A_70 = arith.constant 48 : index
    %get3A_71 = tpu.vector_load %arg12[%get3A_70] {strides = array<i32>} : memref<80xi32, #tpu.memory_space<vmem>>, vector<16xi32>,
    tpu.vector_store_idx %arg16[%broadcast_in_dim3A_23, %get3A_71], %broadcast_in_dim3A_21 {add = true} : memref<1x10240xf32, #tpu.memory_space<vmem>>[vector<16xi32>, vector<16xi32>], vector<16xf32>,
    %get3A_72 = arith.constant 64 : index
    %get3A_73 = tpu.vector_load %arg12[%get3A_72] {strides = array<i32>} : memref<80xi32, #tpu.memory_space<vmem>>, vector<16xi32>,
    tpu.vector_store_idx %arg16[%broadcast_in_dim3A_23, %get3A_73], %broadcast_in_dim3A_21 {add = true} : memref<1x10240xf32, #tpu.memory_space<vmem>>[vector<16xi32>, vector<16xi32>], vector<16xf32>,
    %dma_wait3A_74 = arith.constant 0 : i32
    %dma_wait3A_75 = arith.constant 0 : i32
    %dma_wait3A_76 = tpu.memref_slice %arg9[%dma_wait3A_74, %dma_wait3A_75] : memref<10240x128xf32, #tpu.memory_space<vmem_shared>> -> memref<10240x128xf32, #tpu.memory_space<vmem_shared>>
    tpu.wait_indirect_dma semaphore(%arg17 : memref<!tpu.dma_semaphore, #tpu.memory_space<semaphore_mem>>) src(%arg14 : memref<80x128xf32, #tpu.memory_space<vmem>>) dst(%dma_wait3A_76 : memref<10240x128xf32, #tpu.memory_space<vmem_shared>>)
    %barrier3A_77 = arith.constant 0 : index
    tpu.barrier barrier_id(%barrier3A_77)
    %add3A_78 = arith.constant 0 : i32
    %add3A_79 = arith.addi %mul3A_0, %add3A_78 : i32
    "tpu.region"() ({
      %run_scoped3A = tpu.sem_alloc : memref<!tpu.dma_semaphore, #tpu.memory_space<semaphore_mem>>
      %dma_start3A_110 = arith.constant 0 : i32
      %dma_start3A_111 = tpu.memref_slice %arg9[%add3A_79, %dma_start3A_110] : memref<10240x128xf32, #tpu.memory_space<vmem_shared>> -> memref<80x128xf32, #tpu.memory_space<vmem_shared>>
      %dma_start3A_112 = arith.constant 0 : i32
      %dma_start3A_113 = tpu.memref_slice %arg9[%add3A_79, %dma_start3A_112] : memref<10240x128xf32, #tpu.memory_space<vmem_shared>> -> memref<80x128xf32, #tpu.memory_space<vmem_shared>>
      tpu.enqueue_dma source(%dma_start3A_113 : memref<80x128xf32, #tpu.memory_space<vmem_shared>>) target(%arg14 : memref<80x128xf32, #tpu.memory_space<vmem>>) target_semaphore(%run_scoped3A : memref<!tpu.dma_semaphore, #tpu.memory_space<semaphore_mem>>)
      %dma_wait3A_114 = arith.constant 0 : i32
      %dma_wait3A_115 = tpu.memref_slice %arg9[%add3A_79, %dma_wait3A_114] : memref<10240x128xf32, #tpu.memory_space<vmem_shared>> -> memref<80x128xf32, #tpu.memory_space<vmem_shared>>
      %dma_wait3A_116 = arith.constant 0 : i32
      %dma_wait3A_117 = tpu.memref_slice %arg9[%add3A_79, %dma_wait3A_116] : memref<10240x128xf32, #tpu.memory_space<vmem_shared>> -> memref<80x128xf32, #tpu.memory_space<vmem_shared>>
      tpu.wait_dma2 semaphore(%run_scoped3A : memref<!tpu.dma_semaphore, #tpu.memory_space<semaphore_mem>>) src(%dma_wait3A_117 : memref<80x128xf32, #tpu.memory_space<vmem_shared>>) dst(%arg14 : memref<80x128xf32, #tpu.memory_space<vmem>>)
      tpu.yield
    }) : () -> ()
    %add3A_80 = arith.constant 0 : i32
    %add3A_81 = arith.addi %mul3A_0, %add3A_80 : i32
    "tpu.region"() ({
      %run_scoped3A = tpu.sem_alloc : memref<!tpu.dma_semaphore, #tpu.memory_space<semaphore_mem>>
      %dma_start3A_110 = arith.constant 0 : i32
      %dma_start3A_111 = tpu.memref_slice %arg7[%arg0, %add3A_81, %dma_start3A_110] : memref<2x10240x128xf32, #tpu.memory_space<hbm>> -> memref<1x80x128xf32, #tpu.memory_space<hbm>>
      %dma_start3A_112 = tpu.memref_squeeze %dma_start3A_111 : memref<1x80x128xf32, #tpu.memory_space<hbm>> -> memref<80x128xf32, #tpu.memory_space<hbm>>
      %dma_start3A_113 = arith.constant 0 : i32
      %dma_start3A_114 = tpu.memref_slice %arg7[%arg0, %add3A_81, %dma_start3A_113] : memref<2x10240x128xf32, #tpu.memory_space<hbm>> -> memref<1x80x128xf32, #tpu.memory_space<hbm>>
      %dma_start3A_115 = tpu.memref_squeeze %dma_start3A_114 : memref<1x80x128xf32, #tpu.memory_space<hbm>> -> memref<80x128xf32, #tpu.memory_space<hbm>>
      tpu.enqueue_dma source(%arg14 : memref<80x128xf32, #tpu.memory_space<vmem>>) target(%dma_start3A_115 : memref<80x128xf32, #tpu.memory_space<hbm>>) target_semaphore(%run_scoped3A : memref<!tpu.dma_semaphore, #tpu.memory_space<semaphore_mem>>)
      %dma_wait3A_116 = arith.constant 0 : i32
      %dma_wait3A_117 = tpu.memref_slice %arg7[%arg0, %add3A_81, %dma_wait3A_116] : memref<2x10240x128xf32, #tpu.memory_space<hbm>> -> memref<1x80x128xf32, #tpu.memory_space<hbm>>
      %dma_wait3A_118 = tpu.memref_squeeze %dma_wait3A_117 : memref<1x80x128xf32, #tpu.memory_space<hbm>> -> memref<80x128xf32, #tpu.memory_space<hbm>>
      %dma_wait3A_119 = arith.constant 0 : i32
      %dma_wait3A_120 = tpu.memref_slice %arg7[%arg0, %add3A_81, %dma_wait3A_119] : memref<2x10240x128xf32, #tpu.memory_space<hbm>> -> memref<1x80x128xf32, #tpu.memory_space<hbm>>
      %dma_wait3A_121 = tpu.memref_squeeze %dma_wait3A_120 : memref<1x80x128xf32, #tpu.memory_space<hbm>> -> memref<80x128xf32, #tpu.memory_space<hbm>>
      tpu.wait_dma2 semaphore(%run_scoped3A : memref<!tpu.dma_semaphore, #tpu.memory_space<semaphore_mem>>) src(%arg14 : memref<80x128xf32, #tpu.memory_space<vmem>>) dst(%dma_wait3A_121 : memref<80x128xf32, #tpu.memory_space<hbm>>)
      tpu.yield
    }) : () -> ()
    %add3A_82 = arith.constant 80 : i32
    %add3A_83 = arith.addi %mul3A_0, %add3A_82 : i32
    "tpu.region"() ({
      %run_scoped3A = tpu.sem_alloc : memref<!tpu.dma_semaphore, #tpu.memory_space<semaphore_mem>>
      %dma_start3A_110 = arith.constant 0 : i32
      %dma_start3A_111 = tpu.memref_slice %arg9[%add3A_83, %dma_start3A_110] : memref<10240x128xf32, #tpu.memory_space<vmem_shared>> -> memref<80x128xf32, #tpu.memory_space<vmem_shared>>
      %dma_start3A_112 = arith.constant 0 : i32
      %dma_start3A_113 = tpu.memref_slice %arg9[%add3A_83, %dma_start3A_112] : memref<10240x128xf32, #tpu.memory_space<vmem_shared>> -> memref<80x128xf32, #tpu.memory_space<vmem_shared>>
      tpu.enqueue_dma source(%dma_start3A_113 : memref<80x128xf32, #tpu.memory_space<vmem_shared>>) target(%arg14 : memref<80x128xf32, #tpu.memory_space<vmem>>) target_semaphore(%run_scoped3A : memref<!tpu.dma_semaphore, #tpu.memory_space<semaphore_mem>>)
      %dma_wait3A_114 = arith.constant 0 : i32
      %dma_wait3A_115 = tpu.memref_slice %arg9[%add3A_83, %dma_wait3A_114] : memref<10240x128xf32, #tpu.memory_space<vmem_shared>> -> memref<80x128xf32, #tpu.memory_space<vmem_shared>>
      %dma_wait3A_116 = arith.constant 0 : i32
      %dma_wait3A_117 = tpu.memref_slice %arg9[%add3A_83, %dma_wait3A_116] : memref<10240x128xf32, #tpu.memory_space<vmem_shared>> -> memref<80x128xf32, #tpu.memory_space<vmem_shared>>
      tpu.wait_dma2 semaphore(%run_scoped3A : memref<!tpu.dma_semaphore, #tpu.memory_space<semaphore_mem>>) src(%dma_wait3A_117 : memref<80x128xf32, #tpu.memory_space<vmem_shared>>) dst(%arg14 : memref<80x128xf32, #tpu.memory_space<vmem>>)
      tpu.yield
    }) : () -> ()
    %add3A_84 = arith.constant 80 : i32
    %add3A_85 = arith.addi %mul3A_0, %add3A_84 : i32
    "tpu.region"() ({
      %run_scoped3A = tpu.sem_alloc : memref<!tpu.dma_semaphore, #tpu.memory_space<semaphore_mem>>
      %dma_start3A_110 = arith.constant 0 : i32
      %dma_start3A_111 = tpu.memref_slice %arg7[%arg0, %add3A_85, %dma_start3A_110] : memref<2x10240x128xf32, #tpu.memory_space<hbm>> -> memref<1x80x128xf32, #tpu.memory_space<hbm>>
      %dma_start3A_112 = tpu.memref_squeeze %dma_start3A_111 : memref<1x80x128xf32, #tpu.memory_space<hbm>> -> memref<80x128xf32, #tpu.memory_space<hbm>>
      %dma_start3A_113 = arith.constant 0 : i32
      %dma_start3A_114 = tpu.memref_slice %arg7[%arg0, %add3A_85, %dma_start3A_113] : memref<2x10240x128xf32, #tpu.memory_space<hbm>> -> memref<1x80x128xf32, #tpu.memory_space<hbm>>
      %dma_start3A_115 = tpu.memref_squeeze %dma_start3A_114 : memref<1x80x128xf32, #tpu.memory_space<hbm>> -> memref<80x128xf32, #tpu.memory_space<hbm>>
      tpu.enqueue_dma source(%arg14 : memref<80x128xf32, #tpu.memory_space<vmem>>) target(%dma_start3A_115 : memref<80x128xf32, #tpu.memory_space<hbm>>) target_semaphore(%run_scoped3A : memref<!tpu.dma_semaphore, #tpu.memory_space<semaphore_mem>>)
      %dma_wait3A_116 = arith.constant 0 : i32
      %dma_wait3A_117 = tpu.memref_slice %arg7[%arg0, %add3A_85, %dma_wait3A_116] : memref<2x10240x128xf32, #tpu.memory_space<hbm>> -> memref<1x80x128xf32, #tpu.memory_space<hbm>>
      %dma_wait3A_118 = tpu.memref_squeeze %dma_wait3A_117 : memref<1x80x128xf32, #tpu.memory_space<hbm>> -> memref<80x128xf32, #tpu.memory_space<hbm>>
      %dma_wait3A_119 = arith.constant 0 : i32
      %dma_wait3A_120 = tpu.memref_slice %arg7[%arg0, %add3A_85, %dma_wait3A_119] : memref<2x10240x128xf32, #tpu.memory_space<hbm>> -> memref<1x80x128xf32, #tpu.memory_space<hbm>>
      %dma_wait3A_121 = tpu.memref_squeeze %dma_wait3A_120 : memref<1x80x128xf32, #tpu.memory_space<hbm>> -> memref<80x128xf32, #tpu.memory_space<hbm>>
      tpu.wait_dma2 semaphore(%run_scoped3A : memref<!tpu.dma_semaphore, #tpu.memory_space<semaphore_mem>>) src(%arg14 : memref<80x128xf32, #tpu.memory_space<vmem>>) dst(%dma_wait3A_121 : memref<80x128xf32, #tpu.memory_space<hbm>>)
      tpu.yield
    }) : () -> ()
    %add3A_86 = arith.constant 160 : i32
    %add3A_87 = arith.addi %mul3A_0, %add3A_86 : i32
    "tpu.region"() ({
      %run_scoped3A = tpu.sem_alloc : memref<!tpu.dma_semaphore, #tpu.memory_space<semaphore_mem>>
      %dma_start3A_110 = arith.constant 0 : i32
      %dma_start3A_111 = tpu.memref_slice %arg9[%add3A_87, %dma_start3A_110] : memref<10240x128xf32, #tpu.memory_space<vmem_shared>> -> memref<80x128xf32, #tpu.memory_space<vmem_shared>>
      %dma_start3A_112 = arith.constant 0 : i32
      %dma_start3A_113 = tpu.memref_slice %arg9[%add3A_87, %dma_start3A_112] : memref<10240x128xf32, #tpu.memory_space<vmem_shared>> -> memref<80x128xf32, #tpu.memory_space<vmem_shared>>
      tpu.enqueue_dma source(%dma_start3A_113 : memref<80x128xf32, #tpu.memory_space<vmem_shared>>) target(%arg14 : memref<80x128xf32, #tpu.memory_space<vmem>>) target_semaphore(%run_scoped3A : memref<!tpu.dma_semaphore, #tpu.memory_space<semaphore_mem>>)
      %dma_wait3A_114 = arith.constant 0 : i32
      %dma_wait3A_115 = tpu.memref_slice %arg9[%add3A_87, %dma_wait3A_114] : memref<10240x128xf32, #tpu.memory_space<vmem_shared>> -> memref<80x128xf32, #tpu.memory_space<vmem_shared>>
      %dma_wait3A_116 = arith.constant 0 : i32
      %dma_wait3A_117 = tpu.memref_slice %arg9[%add3A_87, %dma_wait3A_116] : memref<10240x128xf32, #tpu.memory_space<vmem_shared>> -> memref<80x128xf32, #tpu.memory_space<vmem_shared>>
      tpu.wait_dma2 semaphore(%run_scoped3A : memref<!tpu.dma_semaphore, #tpu.memory_space<semaphore_mem>>) src(%dma_wait3A_117 : memref<80x128xf32, #tpu.memory_space<vmem_shared>>) dst(%arg14 : memref<80x128xf32, #tpu.memory_space<vmem>>)
      tpu.yield
    }) : () -> ()
    %add3A_88 = arith.constant 160 : i32
    %add3A_89 = arith.addi %mul3A_0, %add3A_88 : i32
    "tpu.region"() ({
      %run_scoped3A = tpu.sem_alloc : memref<!tpu.dma_semaphore, #tpu.memory_space<semaphore_mem>>
      %dma_start3A_110 = arith.constant 0 : i32
      %dma_start3A_111 = tpu.memref_slice %arg7[%arg0, %add3A_89, %dma_start3A_110] : memref<2x10240x128xf32, #tpu.memory_space<hbm>> -> memref<1x80x128xf32, #tpu.memory_space<hbm>>
      %dma_start3A_112 = tpu.memref_squeeze %dma_start3A_111 : memref<1x80x128xf32, #tpu.memory_space<hbm>> -> memref<80x128xf32, #tpu.memory_space<hbm>>
      %dma_start3A_113 = arith.constant 0 : i32
      %dma_start3A_114 = tpu.memref_slice %arg7[%arg0, %add3A_89, %dma_start3A_113] : memref<2x10240x128xf32, #tpu.memory_space<hbm>> -> memref<1x80x128xf32, #tpu.memory_space<hbm>>
      %dma_start3A_115 = tpu.memref_squeeze %dma_start3A_114 : memref<1x80x128xf32, #tpu.memory_space<hbm>> -> memref<80x128xf32, #tpu.memory_space<hbm>>
      tpu.enqueue_dma source(%arg14 : memref<80x128xf32, #tpu.memory_space<vmem>>) target(%dma_start3A_115 : memref<80x128xf32, #tpu.memory_space<hbm>>) target_semaphore(%run_scoped3A : memref<!tpu.dma_semaphore, #tpu.memory_space<semaphore_mem>>)
      %dma_wait3A_116 = arith.constant 0 : i32
      %dma_wait3A_117 = tpu.memref_slice %arg7[%arg0, %add3A_89, %dma_wait3A_116] : memref<2x10240x128xf32, #tpu.memory_space<hbm>> -> memref<1x80x128xf32, #tpu.memory_space<hbm>>
      %dma_wait3A_118 = tpu.memref_squeeze %dma_wait3A_117 : memref<1x80x128xf32, #tpu.memory_space<hbm>> -> memref<80x128xf32, #tpu.memory_space<hbm>>
      %dma_wait3A_119 = arith.constant 0 : i32
      %dma_wait3A_120 = tpu.memref_slice %arg7[%arg0, %add3A_89, %dma_wait3A_119] : memref<2x10240x128xf32, #tpu.memory_space<hbm>> -> memref<1x80x128xf32, #tpu.memory_space<hbm>>
      %dma_wait3A_121 = tpu.memref_squeeze %dma_wait3A_120 : memref<1x80x128xf32, #tpu.memory_space<hbm>> -> memref<80x128xf32, #tpu.memory_space<hbm>>
      tpu.wait_dma2 semaphore(%run_scoped3A : memref<!tpu.dma_semaphore, #tpu.memory_space<semaphore_mem>>) src(%arg14 : memref<80x128xf32, #tpu.memory_space<vmem>>) dst(%dma_wait3A_121 : memref<80x128xf32, #tpu.memory_space<hbm>>)
      tpu.yield
    }) : () -> ()
    %add3A_90 = arith.constant 240 : i32
    %add3A_91 = arith.addi %mul3A_0, %add3A_90 : i32
    "tpu.region"() ({
      %run_scoped3A = tpu.sem_alloc : memref<!tpu.dma_semaphore, #tpu.memory_space<semaphore_mem>>
      %dma_start3A_110 = arith.constant 0 : i32
      %dma_start3A_111 = tpu.memref_slice %arg9[%add3A_91, %dma_start3A_110] : memref<10240x128xf32, #tpu.memory_space<vmem_shared>> -> memref<80x128xf32, #tpu.memory_space<vmem_shared>>
      %dma_start3A_112 = arith.constant 0 : i32
      %dma_start3A_113 = tpu.memref_slice %arg9[%add3A_91, %dma_start3A_112] : memref<10240x128xf32, #tpu.memory_space<vmem_shared>> -> memref<80x128xf32, #tpu.memory_space<vmem_shared>>
      tpu.enqueue_dma source(%dma_start3A_113 : memref<80x128xf32, #tpu.memory_space<vmem_shared>>) target(%arg14 : memref<80x128xf32, #tpu.memory_space<vmem>>) target_semaphore(%run_scoped3A : memref<!tpu.dma_semaphore, #tpu.memory_space<semaphore_mem>>)
      %dma_wait3A_114 = arith.constant 0 : i32
      %dma_wait3A_115 = tpu.memref_slice %arg9[%add3A_91, %dma_wait3A_114] : memref<10240x128xf32, #tpu.memory_space<vmem_shared>> -> memref<80x128xf32, #tpu.memory_space<vmem_shared>>
      %dma_wait3A_116 = arith.constant 0 : i32
      %dma_wait3A_117 = tpu.memref_slice %arg9[%add3A_91, %dma_wait3A_116] : memref<10240x128xf32, #tpu.memory_space<vmem_shared>> -> memref<80x128xf32, #tpu.memory_space<vmem_shared>>
      tpu.wait_dma2 semaphore(%run_scoped3A : memref<!tpu.dma_semaphore, #tpu.memory_space<semaphore_mem>>) src(%dma_wait3A_117 : memref<80x128xf32, #tpu.memory_space<vmem_shared>>) dst(%arg14 : memref<80x128xf32, #tpu.memory_space<vmem>>)
      tpu.yield
    }) : () -> ()
    %add3A_92 = arith.constant 240 : i32
    %add3A_93 = arith.addi %mul3A_0, %add3A_92 : i32
    "tpu.region"() ({
      %run_scoped3A = tpu.sem_alloc : memref<!tpu.dma_semaphore, #tpu.memory_space<semaphore_mem>>
      %dma_start3A_110 = arith.constant 0 : i32
      %dma_start3A_111 = tpu.memref_slice %arg7[%arg0, %add3A_93, %dma_start3A_110] : memref<2x10240x128xf32, #tpu.memory_space<hbm>> -> memref<1x80x128xf32, #tpu.memory_space<hbm>>
      %dma_start3A_112 = tpu.memref_squeeze %dma_start3A_111 : memref<1x80x128xf32, #tpu.memory_space<hbm>> -> memref<80x128xf32, #tpu.memory_space<hbm>>
      %dma_start3A_113 = arith.constant 0 : i32
      %dma_start3A_114 = tpu.memref_slice %arg7[%arg0, %add3A_93, %dma_start3A_113] : memref<2x10240x128xf32, #tpu.memory_space<hbm>> -> memref<1x80x128xf32, #tpu.memory_space<hbm>>
      %dma_start3A_115 = tpu.memref_squeeze %dma_start3A_114 : memref<1x80x128xf32, #tpu.memory_space<hbm>> -> memref<80x128xf32, #tpu.memory_space<hbm>>
      tpu.enqueue_dma source(%arg14 : memref<80x128xf32, #tpu.memory_space<vmem>>) target(%dma_start3A_115 : memref<80x128xf32, #tpu.memory_space<hbm>>) target_semaphore(%run_scoped3A : memref<!tpu.dma_semaphore, #tpu.memory_space<semaphore_mem>>)
      %dma_wait3A_116 = arith.constant 0 : i32
      %dma_wait3A_117 = tpu.memref_slice %arg7[%arg0, %add3A_93, %dma_wait3A_116] : memref<2x10240x128xf32, #tpu.memory_space<hbm>> -> memref<1x80x128xf32, #tpu.memory_space<hbm>>
      %dma_wait3A_118 = tpu.memref_squeeze %dma_wait3A_117 : memref<1x80x128xf32, #tpu.memory_space<hbm>> -> memref<80x128xf32, #tpu.memory_space<hbm>>
      %dma_wait3A_119 = arith.constant 0 : i32
      %dma_wait3A_120 = tpu.memref_slice %arg7[%arg0, %add3A_93, %dma_wait3A_119] : memref<2x10240x128xf32, #tpu.memory_space<hbm>> -> memref<1x80x128xf32, #tpu.memory_space<hbm>>
      %dma_wait3A_121 = tpu.memref_squeeze %dma_wait3A_120 : memref<1x80x128xf32, #tpu.memory_space<hbm>> -> memref<80x128xf32, #tpu.memory_space<hbm>>
      tpu.wait_dma2 semaphore(%run_scoped3A : memref<!tpu.dma_semaphore, #tpu.memory_space<semaphore_mem>>) src(%arg14 : memref<80x128xf32, #tpu.memory_space<vmem>>) dst(%dma_wait3A_121 : memref<80x128xf32, #tpu.memory_space<hbm>>)
      tpu.yield
    }) : () -> ()
    %add3A_94 = arith.constant 320 : i32
    %add3A_95 = arith.addi %mul3A_0, %add3A_94 : i32
    "tpu.region"() ({
      %run_scoped3A = tpu.sem_alloc : memref<!tpu.dma_semaphore, #tpu.memory_space<semaphore_mem>>
      %dma_start3A_110 = arith.constant 0 : i32
      %dma_start3A_111 = tpu.memref_slice %arg9[%add3A_95, %dma_start3A_110] : memref<10240x128xf32, #tpu.memory_space<vmem_shared>> -> memref<80x128xf32, #tpu.memory_space<vmem_shared>>
      %dma_start3A_112 = arith.constant 0 : i32
      %dma_start3A_113 = tpu.memref_slice %arg9[%add3A_95, %dma_start3A_112] : memref<10240x128xf32, #tpu.memory_space<vmem_shared>> -> memref<80x128xf32, #tpu.memory_space<vmem_shared>>
      tpu.enqueue_dma source(%dma_start3A_113 : memref<80x128xf32, #tpu.memory_space<vmem_shared>>) target(%arg14 : memref<80x128xf32, #tpu.memory_space<vmem>>) target_semaphore(%run_scoped3A : memref<!tpu.dma_semaphore, #tpu.memory_space<semaphore_mem>>)
      %dma_wait3A_114 = arith.constant 0 : i32
      %dma_wait3A_115 = tpu.memref_slice %arg9[%add3A_95, %dma_wait3A_114] : memref<10240x128xf32, #tpu.memory_space<vmem_shared>> -> memref<80x128xf32, #tpu.memory_space<vmem_shared>>
      %dma_wait3A_116 = arith.constant 0 : i32
      %dma_wait3A_117 = tpu.memref_slice %arg9[%add3A_95, %dma_wait3A_116] : memref<10240x128xf32, #tpu.memory_space<vmem_shared>> -> memref<80x128xf32, #tpu.memory_space<vmem_shared>>
      tpu.wait_dma2 semaphore(%run_scoped3A : memref<!tpu.dma_semaphore, #tpu.memory_space<semaphore_mem>>) src(%dma_wait3A_117 : memref<80x128xf32, #tpu.memory_space<vmem_shared>>) dst(%arg14 : memref<80x128xf32, #tpu.memory_space<vmem>>)
      tpu.yield
    }) : () -> ()
    %add3A_96 = arith.constant 320 : i32
    %add3A_97 = arith.addi %mul3A_0, %add3A_96 : i32
    "tpu.region"() ({
      %run_scoped3A = tpu.sem_alloc : memref<!tpu.dma_semaphore, #tpu.memory_space<semaphore_mem>>
      %dma_start3A_110 = arith.constant 0 : i32
      %dma_start3A_111 = tpu.memref_slice %arg7[%arg0, %add3A_97, %dma_start3A_110] : memref<2x10240x128xf32, #tpu.memory_space<hbm>> -> memref<1x80x128xf32, #tpu.memory_space<hbm>>
      %dma_start3A_112 = tpu.memref_squeeze %dma_start3A_111 : memref<1x80x128xf32, #tpu.memory_space<hbm>> -> memref<80x128xf32, #tpu.memory_space<hbm>>
      %dma_start3A_113 = arith.constant 0 : i32
      %dma_start3A_114 = tpu.memref_slice %arg7[%arg0, %add3A_97, %dma_start3A_113] : memref<2x10240x128xf32, #tpu.memory_space<hbm>> -> memref<1x80x128xf32, #tpu.memory_space<hbm>>
      %dma_start3A_115 = tpu.memref_squeeze %dma_start3A_114 : memref<1x80x128xf32, #tpu.memory_space<hbm>> -> memref<80x128xf32, #tpu.memory_space<hbm>>
      tpu.enqueue_dma source(%arg14 : memref<80x128xf32, #tpu.memory_space<vmem>>) target(%dma_start3A_115 : memref<80x128xf32, #tpu.memory_space<hbm>>) target_semaphore(%run_scoped3A : memref<!tpu.dma_semaphore, #tpu.memory_space<semaphore_mem>>)
      %dma_wait3A_116 = arith.constant 0 : i32
      %dma_wait3A_117 = tpu.memref_slice %arg7[%arg0, %add3A_97, %dma_wait3A_116] : memref<2x10240x128xf32, #tpu.memory_space<hbm>> -> memref<1x80x128xf32, #tpu.memory_space<hbm>>
      %dma_wait3A_118 = tpu.memref_squeeze %dma_wait3A_117 : memref<1x80x128xf32, #tpu.memory_space<hbm>> -> memref<80x128xf32, #tpu.memory_space<hbm>>
      %dma_wait3A_119 = arith.constant 0 : i32
      %dma_wait3A_120 = tpu.memref_slice %arg7[%arg0, %add3A_97, %dma_wait3A_119] : memref<2x10240x128xf32, #tpu.memory_space<hbm>> -> memref<1x80x128xf32, #tpu.memory_space<hbm>>
      %dma_wait3A_121 = tpu.memref_squeeze %dma_wait3A_120 : memref<1x80x128xf32, #tpu.memory_space<hbm>> -> memref<80x128xf32, #tpu.memory_space<hbm>>
      tpu.wait_dma2 semaphore(%run_scoped3A : memref<!tpu.dma_semaphore, #tpu.memory_space<semaphore_mem>>) src(%arg14 : memref<80x128xf32, #tpu.memory_space<vmem>>) dst(%dma_wait3A_121 : memref<80x128xf32, #tpu.memory_space<hbm>>)
      tpu.yield
    }) : () -> ()
    %add3A_98 = arith.constant 400 : i32
    %add3A_99 = arith.addi %mul3A_0, %add3A_98 : i32
    "tpu.region"() ({
      %run_scoped3A = tpu.sem_alloc : memref<!tpu.dma_semaphore, #tpu.memory_space<semaphore_mem>>
      %dma_start3A_110 = arith.constant 0 : i32
      %dma_start3A_111 = tpu.memref_slice %arg9[%add3A_99, %dma_start3A_110] : memref<10240x128xf32, #tpu.memory_space<vmem_shared>> -> memref<80x128xf32, #tpu.memory_space<vmem_shared>>
      %dma_start3A_112 = arith.constant 0 : i32
      %dma_start3A_113 = tpu.memref_slice %arg9[%add3A_99, %dma_start3A_112] : memref<10240x128xf32, #tpu.memory_space<vmem_shared>> -> memref<80x128xf32, #tpu.memory_space<vmem_shared>>
      tpu.enqueue_dma source(%dma_start3A_113 : memref<80x128xf32, #tpu.memory_space<vmem_shared>>) target(%arg14 : memref<80x128xf32, #tpu.memory_space<vmem>>) target_semaphore(%run_scoped3A : memref<!tpu.dma_semaphore, #tpu.memory_space<semaphore_mem>>)
      %dma_wait3A_114 = arith.constant 0 : i32
      %dma_wait3A_115 = tpu.memref_slice %arg9[%add3A_99, %dma_wait3A_114] : memref<10240x128xf32, #tpu.memory_space<vmem_shared>> -> memref<80x128xf32, #tpu.memory_space<vmem_shared>>
      %dma_wait3A_116 = arith.constant 0 : i32
      %dma_wait3A_117 = tpu.memref_slice %arg9[%add3A_99, %dma_wait3A_116] : memref<10240x128xf32, #tpu.memory_space<vmem_shared>> -> memref<80x128xf32, #tpu.memory_space<vmem_shared>>
      tpu.wait_dma2 semaphore(%run_scoped3A : memref<!tpu.dma_semaphore, #tpu.memory_space<semaphore_mem>>) src(%dma_wait3A_117 : memref<80x128xf32, #tpu.memory_space<vmem_shared>>) dst(%arg14 : memref<80x128xf32, #tpu.memory_space<vmem>>)
      tpu.yield
    }) : () -> ()
    %add3A_100 = arith.constant 400 : i32
    %add3A_101 = arith.addi %mul3A_0, %add3A_100 : i32
    "tpu.region"() ({
      %run_scoped3A = tpu.sem_alloc : memref<!tpu.dma_semaphore, #tpu.memory_space<semaphore_mem>>
      %dma_start3A_110 = arith.constant 0 : i32
      %dma_start3A_111 = tpu.memref_slice %arg7[%arg0, %add3A_101, %dma_start3A_110] : memref<2x10240x128xf32, #tpu.memory_space<hbm>> -> memref<1x80x128xf32, #tpu.memory_space<hbm>>
      %dma_start3A_112 = tpu.memref_squeeze %dma_start3A_111 : memref<1x80x128xf32, #tpu.memory_space<hbm>> -> memref<80x128xf32, #tpu.memory_space<hbm>>
      %dma_start3A_113 = arith.constant 0 : i32
      %dma_start3A_114 = tpu.memref_slice %arg7[%arg0, %add3A_101, %dma_start3A_113] : memref<2x10240x128xf32, #tpu.memory_space<hbm>> -> memref<1x80x128xf32, #tpu.memory_space<hbm>>
      %dma_start3A_115 = tpu.memref_squeeze %dma_start3A_114 : memref<1x80x128xf32, #tpu.memory_space<hbm>> -> memref<80x128xf32, #tpu.memory_space<hbm>>
      tpu.enqueue_dma source(%arg14 : memref<80x128xf32, #tpu.memory_space<vmem>>) target(%dma_start3A_115 : memref<80x128xf32, #tpu.memory_space<hbm>>) target_semaphore(%run_scoped3A : memref<!tpu.dma_semaphore, #tpu.memory_space<semaphore_mem>>)
      %dma_wait3A_116 = arith.constant 0 : i32
      %dma_wait3A_117 = tpu.memref_slice %arg7[%arg0, %add3A_101, %dma_wait3A_116] : memref<2x10240x128xf32, #tpu.memory_space<hbm>> -> memref<1x80x128xf32, #tpu.memory_space<hbm>>
      %dma_wait3A_118 = tpu.memref_squeeze %dma_wait3A_117 : memref<1x80x128xf32, #tpu.memory_space<hbm>> -> memref<80x128xf32, #tpu.memory_space<hbm>>
      %dma_wait3A_119 = arith.constant 0 : i32
      %dma_wait3A_120 = tpu.memref_slice %arg7[%arg0, %add3A_101, %dma_wait3A_119] : memref<2x10240x128xf32, #tpu.memory_space<hbm>> -> memref<1x80x128xf32, #tpu.memory_space<hbm>>
      %dma_wait3A_121 = tpu.memref_squeeze %dma_wait3A_120 : memref<1x80x128xf32, #tpu.memory_space<hbm>> -> memref<80x128xf32, #tpu.memory_space<hbm>>
      tpu.wait_dma2 semaphore(%run_scoped3A : memref<!tpu.dma_semaphore, #tpu.memory_space<semaphore_mem>>) src(%arg14 : memref<80x128xf32, #tpu.memory_space<vmem>>) dst(%dma_wait3A_121 : memref<80x128xf32, #tpu.memory_space<hbm>>)
      tpu.yield
    }) : () -> ()
    %add3A_102 = arith.constant 480 : i32
    %add3A_103 = arith.addi %mul3A_0, %add3A_102 : i32
    "tpu.region"() ({
      %run_scoped3A = tpu.sem_alloc : memref<!tpu.dma_semaphore, #tpu.memory_space<semaphore_mem>>
      %dma_start3A_110 = arith.constant 0 : i32
      %dma_start3A_111 = tpu.memref_slice %arg9[%add3A_103, %dma_start3A_110] : memref<10240x128xf32, #tpu.memory_space<vmem_shared>> -> memref<80x128xf32, #tpu.memory_space<vmem_shared>>
      %dma_start3A_112 = arith.constant 0 : i32
      %dma_start3A_113 = tpu.memref_slice %arg9[%add3A_103, %dma_start3A_112] : memref<10240x128xf32, #tpu.memory_space<vmem_shared>> -> memref<80x128xf32, #tpu.memory_space<vmem_shared>>
      tpu.enqueue_dma source(%dma_start3A_113 : memref<80x128xf32, #tpu.memory_space<vmem_shared>>) target(%arg14 : memref<80x128xf32, #tpu.memory_space<vmem>>) target_semaphore(%run_scoped3A : memref<!tpu.dma_semaphore, #tpu.memory_space<semaphore_mem>>)
      %dma_wait3A_114 = arith.constant 0 : i32
      %dma_wait3A_115 = tpu.memref_slice %arg9[%add3A_103, %dma_wait3A_114] : memref<10240x128xf32, #tpu.memory_space<vmem_shared>> -> memref<80x128xf32, #tpu.memory_space<vmem_shared>>
      %dma_wait3A_116 = arith.constant 0 : i32
      %dma_wait3A_117 = tpu.memref_slice %arg9[%add3A_103, %dma_wait3A_116] : memref<10240x128xf32, #tpu.memory_space<vmem_shared>> -> memref<80x128xf32, #tpu.memory_space<vmem_shared>>
      tpu.wait_dma2 semaphore(%run_scoped3A : memref<!tpu.dma_semaphore, #tpu.memory_space<semaphore_mem>>) src(%dma_wait3A_117 : memref<80x128xf32, #tpu.memory_space<vmem_shared>>) dst(%arg14 : memref<80x128xf32, #tpu.memory_space<vmem>>)
      tpu.yield
    }) : () -> ()
    %add3A_104 = arith.constant 480 : i32
    %add3A_105 = arith.addi %mul3A_0, %add3A_104 : i32
    "tpu.region"() ({
      %run_scoped3A = tpu.sem_alloc : memref<!tpu.dma_semaphore, #tpu.memory_space<semaphore_mem>>
      %dma_start3A_110 = arith.constant 0 : i32
      %dma_start3A_111 = tpu.memref_slice %arg7[%arg0, %add3A_105, %dma_start3A_110] : memref<2x10240x128xf32, #tpu.memory_space<hbm>> -> memref<1x80x128xf32, #tpu.memory_space<hbm>>
      %dma_start3A_112 = tpu.memref_squeeze %dma_start3A_111 : memref<1x80x128xf32, #tpu.memory_space<hbm>> -> memref<80x128xf32, #tpu.memory_space<hbm>>
      %dma_start3A_113 = arith.constant 0 : i32
      %dma_start3A_114 = tpu.memref_slice %arg7[%arg0, %add3A_105, %dma_start3A_113] : memref<2x10240x128xf32, #tpu.memory_space<hbm>> -> memref<1x80x128xf32, #tpu.memory_space<hbm>>
      %dma_start3A_115 = tpu.memref_squeeze %dma_start3A_114 : memref<1x80x128xf32, #tpu.memory_space<hbm>> -> memref<80x128xf32, #tpu.memory_space<hbm>>
      tpu.enqueue_dma source(%arg14 : memref<80x128xf32, #tpu.memory_space<vmem>>) target(%dma_start3A_115 : memref<80x128xf32, #tpu.memory_space<hbm>>) target_semaphore(%run_scoped3A : memref<!tpu.dma_semaphore, #tpu.memory_space<semaphore_mem>>)
      %dma_wait3A_116 = arith.constant 0 : i32
      %dma_wait3A_117 = tpu.memref_slice %arg7[%arg0, %add3A_105, %dma_wait3A_116] : memref<2x10240x128xf32, #tpu.memory_space<hbm>> -> memref<1x80x128xf32, #tpu.memory_space<hbm>>
      %dma_wait3A_118 = tpu.memref_squeeze %dma_wait3A_117 : memref<1x80x128xf32, #tpu.memory_space<hbm>> -> memref<80x128xf32, #tpu.memory_space<hbm>>
      %dma_wait3A_119 = arith.constant 0 : i32
      %dma_wait3A_120 = tpu.memref_slice %arg7[%arg0, %add3A_105, %dma_wait3A_119] : memref<2x10240x128xf32, #tpu.memory_space<hbm>> -> memref<1x80x128xf32, #tpu.memory_space<hbm>>
      %dma_wait3A_121 = tpu.memref_squeeze %dma_wait3A_120 : memref<1x80x128xf32, #tpu.memory_space<hbm>> -> memref<80x128xf32, #tpu.memory_space<hbm>>
      tpu.wait_dma2 semaphore(%run_scoped3A : memref<!tpu.dma_semaphore, #tpu.memory_space<semaphore_mem>>) src(%arg14 : memref<80x128xf32, #tpu.memory_space<vmem>>) dst(%dma_wait3A_121 : memref<80x128xf32, #tpu.memory_space<hbm>>)
      tpu.yield
    }) : () -> ()
    %add3A_106 = arith.constant 560 : i32
    %add3A_107 = arith.addi %mul3A_0, %add3A_106 : i32
    "tpu.region"() ({
      %run_scoped3A = tpu.sem_alloc : memref<!tpu.dma_semaphore, #tpu.memory_space<semaphore_mem>>
      %dma_start3A_110 = arith.constant 0 : i32
      %dma_start3A_111 = tpu.memref_slice %arg9[%add3A_107, %dma_start3A_110] : memref<10240x128xf32, #tpu.memory_space<vmem_shared>> -> memref<80x128xf32, #tpu.memory_space<vmem_shared>>
      %dma_start3A_112 = arith.constant 0 : i32
      %dma_start3A_113 = tpu.memref_slice %arg9[%add3A_107, %dma_start3A_112] : memref<10240x128xf32, #tpu.memory_space<vmem_shared>> -> memref<80x128xf32, #tpu.memory_space<vmem_shared>>
      tpu.enqueue_dma source(%dma_start3A_113 : memref<80x128xf32, #tpu.memory_space<vmem_shared>>) target(%arg14 : memref<80x128xf32, #tpu.memory_space<vmem>>) target_semaphore(%run_scoped3A : memref<!tpu.dma_semaphore, #tpu.memory_space<semaphore_mem>>)
      %dma_wait3A_114 = arith.constant 0 : i32
      %dma_wait3A_115 = tpu.memref_slice %arg9[%add3A_107, %dma_wait3A_114] : memref<10240x128xf32, #tpu.memory_space<vmem_shared>> -> memref<80x128xf32, #tpu.memory_space<vmem_shared>>
      %dma_wait3A_116 = arith.constant 0 : i32
      %dma_wait3A_117 = tpu.memref_slice %arg9[%add3A_107, %dma_wait3A_116] : memref<10240x128xf32, #tpu.memory_space<vmem_shared>> -> memref<80x128xf32, #tpu.memory_space<vmem_shared>>
      tpu.wait_dma2 semaphore(%run_scoped3A : memref<!tpu.dma_semaphore, #tpu.memory_space<semaphore_mem>>) src(%dma_wait3A_117 : memref<80x128xf32, #tpu.memory_space<vmem_shared>>) dst(%arg14 : memref<80x128xf32, #tpu.memory_space<vmem>>)
      tpu.yield
    }) : () -> ()
    %add3A_108 = arith.constant 560 : i32
    %add3A_109 = arith.addi %mul3A_0, %add3A_108 : i32
    "tpu.region"() ({
      %run_scoped3A = tpu.sem_alloc : memref<!tpu.dma_semaphore, #tpu.memory_space<semaphore_mem>>
      %dma_start3A_110 = arith.constant 0 : i32
      %dma_start3A_111 = tpu.memref_slice %arg7[%arg0, %add3A_109, %dma_start3A_110] : memref<2x10240x128xf32, #tpu.memory_space<hbm>> -> memref<1x80x128xf32, #tpu.memory_space<hbm>>
      %dma_start3A_112 = tpu.memref_squeeze %dma_start3A_111 : memref<1x80x128xf32, #tpu.memory_space<hbm>> -> memref<80x128xf32, #tpu.memory_space<hbm>>
      %dma_start3A_113 = arith.constant 0 : i32
      %dma_start3A_114 = tpu.memref_slice %arg7[%arg0, %add3A_109, %dma_start3A_113] : memref<2x10240x128xf32, #tpu.memory_space<hbm>> -> memref<1x80x128xf32, #tpu.memory_space<hbm>>
      %dma_start3A_115 = tpu.memref_squeeze %dma_start3A_114 : memref<1x80x128xf32, #tpu.memory_space<hbm>> -> memref<80x128xf32, #tpu.memory_space<hbm>>
      tpu.enqueue_dma source(%arg14 : memref<80x128xf32, #tpu.memory_space<vmem>>) target(%dma_start3A_115 : memref<80x128xf32, #tpu.memory_space<hbm>>) target_semaphore(%run_scoped3A : memref<!tpu.dma_semaphore, #tpu.memory_space<semaphore_mem>>)
      %dma_wait3A_116 = arith.constant 0 : i32
      %dma_wait3A_117 = tpu.memref_slice %arg7[%arg0, %add3A_109, %dma_wait3A_116] : memref<2x10240x128xf32, #tpu.memory_space<hbm>> -> memref<1x80x128xf32, #tpu.memory_space<hbm>>
      %dma_wait3A_118 = tpu.memref_squeeze %dma_wait3A_117 : memref<1x80x128xf32, #tpu.memory_space<hbm>> -> memref<80x128xf32, #tpu.memory_space<hbm>>
      %dma_wait3A_119 = arith.constant 0 : i32
      %dma_wait3A_120 = tpu.memref_slice %arg7[%arg0, %add3A_109, %dma_wait3A_119] : memref<2x10240x128xf32, #tpu.memory_space<hbm>> -> memref<1x80x128xf32, #tpu.memory_space<hbm>>
      %dma_wait3A_121 = tpu.memref_squeeze %dma_wait3A_120 : memref<1x80x128xf32, #tpu.memory_space<hbm>> -> memref<80x128xf32, #tpu.memory_space<hbm>>
      tpu.wait_dma2 semaphore(%run_scoped3A : memref<!tpu.dma_semaphore, #tpu.memory_space<semaphore_mem>>) src(%arg14 : memref<80x128xf32, #tpu.memory_space<vmem>>) dst(%dma_wait3A_121 : memref<80x128xf32, #tpu.memory_space<hbm>>)
      tpu.yield
    }) : () -> ()
    "tpu.region"() ({
      %run_scoped3A = tpu.sem_alloc : memref<!tpu.dma_semaphore, #tpu.memory_space<semaphore_mem>>
      %dma_start3A_110 = arith.constant 0 : i32
      %dma_start3A_111 = arith.constant 0 : i32
      %dma_start3A_112 = tpu.memref_slice %arg8[%add3A, %dma_start3A_110, %dma_start3A_111] : memref<32x1x10240xf32, #tpu.memory_space<hbm>> -> memref<1x1x10240xf32, #tpu.memory_space<hbm>>
      %dma_start3A_113 = tpu.memref_squeeze %dma_start3A_112 : memref<1x1x10240xf32, #tpu.memory_space<hbm>> -> memref<1x10240xf32, #tpu.memory_space<hbm>>
      %dma_start3A_114 = arith.constant 0 : i32
      %dma_start3A_115 = arith.constant 0 : i32
      %dma_start3A_116 = tpu.memref_slice %arg8[%add3A, %dma_start3A_114, %dma_start3A_115] : memref<32x1x10240xf32, #tpu.memory_space<hbm>> -> memref<1x1x10240xf32, #tpu.memory_space<hbm>>
      %dma_start3A_117 = tpu.memref_squeeze %dma_start3A_116 : memref<1x1x10240xf32, #tpu.memory_space<hbm>> -> memref<1x10240xf32, #tpu.memory_space<hbm>>
      tpu.enqueue_dma source(%arg16 : memref<1x10240xf32, #tpu.memory_space<vmem>>) target(%dma_start3A_117 : memref<1x10240xf32, #tpu.memory_space<hbm>>) target_semaphore(%run_scoped3A : memref<!tpu.dma_semaphore, #tpu.memory_space<semaphore_mem>>)
      %dma_wait3A_118 = arith.constant 0 : i32
      %dma_wait3A_119 = arith.constant 0 : i32
      %dma_wait3A_120 = tpu.memref_slice %arg8[%add3A, %dma_wait3A_118, %dma_wait3A_119] : memref<32x1x10240xf32, #tpu.memory_space<hbm>> -> memref<1x1x10240xf32, #tpu.memory_space<hbm>>
      %dma_wait3A_121 = tpu.memref_squeeze %dma_wait3A_120 : memref<1x1x10240xf32, #tpu.memory_space<hbm>> -> memref<1x10240xf32, #tpu.memory_space<hbm>>
      %dma_wait3A_122 = arith.constant 0 : i32
      %dma_wait3A_123 = arith.constant 0 : i32
      %dma_wait3A_124 = tpu.memref_slice %arg8[%add3A, %dma_wait3A_122, %dma_wait3A_123] : memref<32x1x10240xf32, #tpu.memory_space<hbm>> -> memref<1x1x10240xf32, #tpu.memory_space<hbm>>
      %dma_wait3A_125 = tpu.memref_squeeze %dma_wait3A_124 : memref<1x1x10240xf32, #tpu.memory_space<hbm>> -> memref<1x10240xf32, #tpu.memory_space<hbm>>
      tpu.wait_dma2 semaphore(%run_scoped3A : memref<!tpu.dma_semaphore, #tpu.memory_space<semaphore_mem>>) src(%arg16 : memref<1x10240xf32, #tpu.memory_space<vmem>>) dst(%dma_wait3A_125 : memref<1x10240xf32, #tpu.memory_space<hbm>>)
      tpu.yield
    }) : () -> ()
    return
  }
}

module attributes {stable_mosaic.version = 14 : i64} {
  func.func @_tc_finish_body(%arg0: i32, %arg1: memref<2x640x128xf32, #tpu.memory_space<vmem>>, %arg2: memref<32x1x640xf32, #tpu.memory_space<vmem>>, %arg3: memref<128x128xf32, #tpu.memory_space<vmem>>, %arg4: memref<640x128xf32, #tpu.memory_space<vmem>>) attributes {dimension_semantics = [#tpu.dimension_semantics<arbitrary>], iteration_bounds = array<i64: 16>, scalar_prefetch = 0 : i64, scratch_operands = 0 : i64, tpu.core_type = #tpu.core_type<tc>, window_params = [{transform_indices = @transform_0, window_bounds = array<i64: 2, 640, 128>}, {transform_indices = @transform_1, window_bounds = array<i64: 32, 1, 640>}, {pipeline_mode = #tpu.pipeline_mode<synchronous>, transform_indices = @transform_2, window_bounds = array<i64: 128, 128>}, {transform_indices = @transform_3, window_bounds = array<i64: 640, 128>}]} {
    %get3A = arith.constant 0 : index
    %get3A_0 = arith.constant 0 : index
    %get3A_1 = arith.constant 0 : index
    %get3A_2 = vector.load %arg1[%get3A, %get3A_0, %get3A_1] : memref<2x640x128xf32, #tpu.memory_space<vmem>>, vector<1x640x128xf32>
    %get3A_3 = vector.shape_cast %get3A_2 : vector<1x640x128xf32> to vector<640x128xf32>
    %get3A_4 = arith.constant 1 : index
    %get3A_5 = arith.constant 0 : index
    %get3A_6 = arith.constant 0 : index
    %get3A_7 = vector.load %arg1[%get3A_4, %get3A_5, %get3A_6] : memref<2x640x128xf32, #tpu.memory_space<vmem>>, vector<1x640x128xf32>
    %get3A_8 = vector.shape_cast %get3A_7 : vector<1x640x128xf32> to vector<640x128xf32>
    %add3A = arith.addf %get3A_3, %get3A_8 : vector<640x128xf32>
    %get3A_9 = arith.constant 0 : index
    %get3A_10 = arith.constant 0 : index
    %get3A_11 = arith.constant 0 : index
    %get3A_12 = vector.load %arg2[%get3A_9, %get3A_10, %get3A_11] : memref<32x1x640xf32, #tpu.memory_space<vmem>>, vector<32x1x640xf32>
    %reduce_sum3A = arith.constant dense<0.000000e+00> : vector<640xf32>
    %reduce_sum3A_13 = vector.multi_reduction <add>, %get3A_12, %reduce_sum3A [0, 1] : vector<32x1x640xf32> to vector<640xf32>
    %max3A = arith.constant 1.000000e+00 : f32
    %max3A_14 = vector.broadcast %max3A : f32 to vector<640xf32>
    %max3A_15 = arith.maximumf %reduce_sum3A_13, %max3A_14 : vector<640xf32>
    %broadcast_in_dim3A = vector.shape_cast %max3A_15 : vector<640xf32> to vector<640x1xf32>
    %div3A = vector.broadcast %broadcast_in_dim3A : vector<640x1xf32> to vector<640x128xf32>
    %div3A_16 = arith.divf %add3A, %div3A : vector<640x128xf32>
    %get3A_17 = arith.constant 0 : index
    %get3A_18 = arith.constant 0 : index
    %get3A_19 = vector.load %arg3[%get3A_17, %get3A_18] : memref<128x128xf32, #tpu.memory_space<vmem>>, vector<128x128xf32>
    %dot_general3A = arith.constant dense<0.000000e+00> : vector<640x128xf32>
    %dot_general3A_20 = tpu.matmul %div3A_16, %get3A_19, %dot_general3A {dimension_numbers = #tpu.dot_dimension_numbers<[1], [1], [0], [0], [0, 0, 1, 0], [], []>, transpose_lhs_hint = false} : vector<640x128xf32>, vector<128x128xf32>, vector<640x128xf32> -> vector<640x128xf32>
    %swap3A = arith.constant 0 : index
    %swap3A_21 = arith.constant 0 : index
    %swap3A_22 = vector.load %arg4[%swap3A, %swap3A_21] : memref<640x128xf32, #tpu.memory_space<vmem>>, vector<640x128xf32>
    tpu.vector_store %arg4[%swap3A, %swap3A_21], %dot_general3A_20 {strides = array<i32>} : memref<640x128xf32, #tpu.memory_space<vmem>>, vector<640x128xf32>,
    return
  }
  func.func @transform_0(%arg0: i32) -> (i32, i32, i32) {
    %c0_i32 = arith.constant 0 : i32
    %c0_i32_0 = arith.constant 0 : i32
    %c0_i32_1 = arith.constant 0 : i32
    return %c0_i32, %arg0, %c0_i32_0 : i32, i32, i32
  }
  func.func @transform_1(%arg0: i32) -> (i32, i32, i32) {
    %c0_i32 = arith.constant 0 : i32
    %c0_i32_0 = arith.constant 0 : i32
    %c0_i32_1 = arith.constant 0 : i32
    return %c0_i32, %c0_i32_0, %arg0 : i32, i32, i32
  }
  func.func @transform_2(%arg0: i32) -> (i32, i32) {
    %c0_i32 = arith.constant 0 : i32
    %c0_i32_0 = arith.constant 0 : i32
    %c0_i32_1 = arith.constant 0 : i32
    return %c0_i32, %c0_i32_0 : i32, i32
  }
  func.func @transform_3(%arg0: i32) -> (i32, i32) {
    %c0_i32 = arith.constant 0 : i32
    %c0_i32_0 = arith.constant 0 : i32
    return %arg0, %c0_i32 : i32, i32
  }
}

</mosaic_0001>

<sc_bundles>
// kernel: kernel.4.cloned.1.call-start
scs
__scs_entry_jumppad:
0x0: {  	(pc) =	sbr.rel $0x88, $3  }
0x1: {  	(tag) =	ssettag $0x0;
	lr =	simm.s32 $0x1  }
0x2: {  	[smem:$0x3F9E] =	sst lr;
	_ =	strace $0xD0000000  }
0x3: {  	_ = 	snop  }
0x4: {  	_ = 	snop  }
0x5: {  	_ = 	snop  }
0x6: {  	_ = 	snop  }
0x7: {  	_ = 	snop  }
__scs_overlays_trampoline_lowered:
0x8: {  	[smem:$0x3FAD] =	sst s0  }
0x9: {  	[smem:$0x3FAE] =	sst s1  }
0xa: {  	[smem:$0x3FAF] =	sst s2  }
0xb: {  	[smem:$0x3FB0] =	sst s3  }
0xc: {  	[smem:$0x3FB1] =	sst s4  }
0xd: {  	[smem:$0x3FB2] =	sst s5  }
0xe: {  	[smem:$0x3FB3] =	sst s6  }
0xf: {  	[smem:$0x3FB4] =	sst s7  }
0x10: {  	[smem:$0x3FB5] =	sst s8  }
0x11: {  	[smem:$0x3FB6] =	sst s9;
	s0 =	simm.s32 @!p0 $0x0  }
0x12: {  	s1 =	sld [smem:$0x3F9C];
	s0 =	simm.s32 @p0 $0x1  }
0x13: {  	[smem:$0x3FB7] =	sst s0;
	s0 =	simm.s32 @!p1 $0x0  }
0x14: {  	s2 =	sld [smem:$0x3F9B];
	s0 =	simm.s32 @p1 $0x1  }
0x15: {  	[smem:$0x3FB8] =	sst s0;
	s0 =	simm.s32 @!p2 $0x0  }
0x16: {  	s3 =	sld [smem:$0x3FDB];
	s0 =	simm.s32 @p2 $0x1  }
0x17: {  	s4 =	simm.s32 $0x1BF5;
	[smem:$0x3FBA] =	sst s0  }
0x18: {  	s0 =	sld [smem:$0x3F9D];
	_ =	swait.ge [sflag:s4], $0x0  }
0x19: {  	s7 =	sld [smem:$0x3F9E]  }
0x1a: {  	s8 =	sadd.s32 $0xFFFFE003, lr  }
0x1b: {  	s9 =	sadd.s32 $0xFFFFFEF7, lr;
	s5 =	simm.s32 $0xFFFFFFFF;
	p2 =	slt.u32 s8, $0xFFFFF086  }
0x1c: {  	p1 =	slt.u32 s9, $0xF7A;
	s5 =	simm.s32 @!p2 $0x0  }
0x1d: {  	s5 =	simm.s32 @p1 $0x1;
	p0 =	seq.s32 s7, s2  }
0x1e: {  	s7 =	smul.u32 @!p0 $0xF7A, s2;
	p2 =	seq.s32 @!p0 s5, $0x0  }
0x1f: {  	s9 =	smul.u32 $0xF7A, s1;
	s8 =	simm.s32 @!p0 $0x1BF5;
	p2 =	por !p2, p0  }
0x20: {  	[sflag:s8] =	ssyncset.s32 @!p0 $0xFFFFF086;
	s6 =	sadd.s32 @!p0 s3, s7;
	s7 =	simm.s32 @!p0 $0x108  }
0x21: {  	s3 =	sadd.s32 s3, s9;
	s6 =	sadd.s32 @!p0 $0x88, s6;
	s7 =	simm.s32 @p2 $0x1082  }
0x22: {  	[simem:s7], [sflag:s8] =	dma.local @!p0 [hbm:s6], $0xF7A  }
0x23: {  	s9 =	sor.u32 $0xD0000000, s2;
	s6 =	simm.s32 $0x108;
	_ =	swait.ge @!p0 [sflag:s8], $0x0  }
0x24: {  	s3 =	sadd.s32 $0x88, s3;
	s6 =	simm.s32 @!p1 $0x1082;
	[sflag:s4] =	ssyncset.s32 $0xFFFFF086  }
0x25: {  	[simem:s6], [sflag:s4] =	dma.local [hbm:s3], $0xF7A  }
0x26: {  	[smem:$0x3F9E] =	sst s1;
	(tag) =	ssettag s2;
	_ =	strace s9  }
0x27: {  	s1 =	sld [smem:$0x3FAE]  }
0x28: {  	s2 =	sld [smem:$0x3FAF]  }
0x29: {  	s4 =	sld [smem:$0x3FB1]  }
0x2a: {  	p0 =	seq.s32 s5, $0x0;
	s5 =	sld [smem:$0x3FB2]  }
0x2b: {  	s6 =	sld [smem:$0x3FB3]  }
0x2c: {  	s7 =	sld [smem:$0x3FB4]  }
0x2d: {  	s3 =	simm.s32 $0x108;
	s8 =	sld [smem:$0x3FB5]  }
0x2e: {  	s3 =	simm.s32 @!p0 $0x1082;
	s9 =	sld [smem:$0x3FB6]  }
0x2f: {  	lr =	sadd.s32 s0, s3;
	s0 =	sld [smem:$0x3FAD]  }
0x30: {  	s3 =	sld [smem:$0x3FB0]  }
0x31: {  	[smem:$0x3FB9] =	sst s10  }
0x32: {  	s10 =	sld [smem:$0x3FB7];
	_ =	sdelay $0x3  }
0x33: {  	p0 =	seq.s32 s10, $0x1;
	s10 =	sld [smem:$0x3FB9];
	_ =	sdelay $0x3  }
0x34: {  	[smem:$0x3FB9] =	sst s10  }
0x35: {  	s10 =	sld [smem:$0x3FB8];
	_ =	sdelay $0x3  }
0x36: {  	p1 =	seq.s32 s10, $0x1;
	s10 =	sld [smem:$0x3FB9];
	_ =	sdelay $0x3  }
0x37: {  	[smem:$0x3FB9] =	sst s10  }
0x38: {  	s10 =	sld [smem:$0x3FBA]  }
0x39: {  	_ = 	snop;
	(pc) =	sbr.ind lr, $3  }
0x3a: {  	_ = 	snop  }
0x3b: {  	_ = 	snop  }
0x3c: {  	p2 =	seq.s32 s10, $0x1;
	s10 =	sld [smem:$0x3FB9]  }
0x3d: {  	_ =	shalt  }
0x3e: {  	_ =	shalt  }
0x3f: {  	_ =	shalt  }
0x40: {  	_ =	shalt  }
0x41: {  	_ =	shalt  }
0x42: {  	_ =	shalt  }
0x43: {  	_ =	shalt  }
0x44: {  	_ =	shalt  }
0x45: {  	_ =	shalt  }
0x46: {  	_ =	shalt  }
0x47: {  	_ =	shalt  }
0x48: {  	_ =	shalt  }
0x49: {  	_ =	shalt  }
0x4a: {  	_ =	shalt  }
0x4b: {  	_ =	shalt  }
0x4c: {  	_ =	shalt  }
0x4d: {  	_ =	shalt  }
0x4e: {  	_ =	shalt  }
0x4f: {  	_ =	shalt  }
0x50: {  	_ =	shalt  }
0x51: {  	_ =	shalt  }
0x52: {  	_ =	shalt  }
0x53: {  	_ =	shalt  }
0x54: {  	_ =	shalt  }
0x55: {  	_ =	shalt  }
0x56: {  	_ =	shalt  }
0x57: {  	_ =	shalt  }
0x58: {  	_ =	shalt  }
0x59: {  	_ =	shalt  }
0x5a: {  	_ =	shalt  }
0x5b: {  	_ =	shalt  }
0x5c: {  	_ =	shalt  }
0x5d: {  	_ =	shalt  }
0x5e: {  	_ =	shalt  }
0x5f: {  	_ =	shalt  }
0x60: {  	_ =	shalt  }
0x61: {  	_ =	shalt  }
0x62: {  	_ =	shalt  }
0x63: {  	_ =	shalt  }
0x64: {  	_ =	shalt  }
0x65: {  	_ =	shalt  }
0x66: {  	_ =	shalt  }
0x67: {  	_ =	shalt  }
0x68: {  	_ =	shalt  }
0x69: {  	_ =	shalt  }
0x6a: {  	_ =	shalt  }
0x6b: {  	_ =	shalt  }
0x6c: {  	_ =	shalt  }
0x6d: {  	_ =	shalt  }
0x6e: {  	_ =	shalt  }
0x6f: {  	_ =	shalt  }
0x70: {  	_ =	shalt  }
0x71: {  	_ =	shalt  }
0x72: {  	_ =	shalt  }
0x73: {  	_ =	shalt  }
0x74: {  	_ =	shalt  }
0x75: {  	_ =	shalt  }
0x76: {  	_ =	shalt  }
0x77: {  	_ =	shalt  }
0x78: {  	_ =	shalt  }
0x79: {  	_ =	shalt  }
0x7a: {  	_ =	shalt  }
0x7b: {  	_ =	shalt  }
0x7c: {  	_ =	shalt  }
0x7d: {  	_ =	shalt  }
0x7e: {  	_ =	shalt  }
0x7f: {  	_ =	shalt  }
0x80: {  	_ =	shalt  }
0x81: {  	_ =	shalt  }
0x82: {  	_ =	shalt  }
0x83: {  	_ =	shalt  }
0x84: {  	_ =	shalt  }
0x85: {  	_ =	shalt  }
0x86: {  	_ =	shalt  }
0x87: {  	_ =	shalt  }
.Lfunc_end0:
.L_simem_size_0:
called_computation_lowered:
.L_overlay_start_0:
0x88: {  	s2 =	sld [smem:$0x3FD9]  }
0x89: {  	s3 =	sld [smem:$0x3FFE];
	_ =	sdelay $0x1  }
0x8a: {  	s1 =	srdreg.scid  }
0x8b: {  	s0 =	sand.u32 $0x1, s1  }
0x8c: {  	s17 =	sshll.u32 s0, $0xA;
	s2 =	sadd.s32 s3, s2  }
0x8d: {  	s2 =	sadd.s32 s2, s17  }
0x8e: {  	[smem:$0x3FC5] =	sst s2  }
0x8f: {  	_ = 	snop  }
0x90: {  	s2 =	sld [smem:$0x3FC9]  }
0x91: {  	s18 =	sld [smem:$0x3FD0];
	(tm) =	ssettm $0x1  }
0x92: {  	s4 =	sld [smem:$0x3FFB];
	_ =	sdelay $0x3  }
0x93: {  	_ =	strace s4  }
0x94: {  	s4 =	sld [smem:$0x3FFC];
	_ =	sdelay $0x3  }
0x95: {  	_ =	strace s4  }
0x96: {  	s4 =	sld [smem:$0x3FFD];
	_ =	sdelay $0x3  }
0x97: {  	_ =	strace s4  }
0x98: {  	_ =	strace $0x8FFFFFFF  }
0x99: {  	s19 =	sld [smem:$0x3FDB];
	_ =	sdelay $0x1  }
0x9a: {  	s5 =	simm.s32 $_scs_section_size  }
0x9b: {  	s6 =	simm.s32 $_size__tile_overlayer_lowered;
	s7 =	simm.s32 $_tile_overlayer_lowered  }
0x9c: {  	s22 =	simm.s32 $0x1BFF;
	s21 =	sshll.u32 s7, $0x1;
	s4 =	sadd.s32 s5, s19  }
0x9d: {  	s8 =	simm.s32 $0x0;
	s20 =	sshll.u32 s6, $0x1;
	s6 =	sadd.s32 s21, s4  }
0x9e: {  	[timem:s8], [sflag:s22] =	dma.local [hbm:s6], s20  }
0x9f: {  	_ =	swait.ge [sflag:s22], s20  }
0xa0: {  	s5 =	ssub.s32 $0x0, s20;
	[sflag:s22] =	ssyncset.done $0x0  }
0xa1: {  	[sflag:s22] =	ssyncadd.s32 s5;
	_ =	sdelay $0x1  }
0xa2: {  	s23 =	simm.s32 $0x1B8B  }
0xa3: {  	_ =	swait.ge [sflag:s23], $0x1  }
0xa4: {  	[sflag:s23] =	ssyncset.done $0x0  }
0xa5: {  	s25 =	simm.s32 $0x1B8E;
	s24 =	sld [smem:$0x3FFE];
	[sflag:s23] =	ssyncadd.s32 $0xFFFFFFFF  }
0xa6: {  	s26 =	simm.s32 $execute0_lowered;
	[smem:$0x3FD2] =	sst s25  }
0xa7: {  	s6 =	sshll.u32 s26, $0x1;
	_ =	strace $0x80000046;
	[dreg:$0x1] =	wrdreg $0xFFFFFFFF  }
0xa8: {  	s28 =	simm.s32 $_size_execute0_lowered;
	s4 =	sadd.s32 s4, s6;
	[dreg:$0x0] =	wrdreg $0x0  }
0xa9: {  	s6 =	sshll.u32 s28, $0x1;
	[dreg:$0x2] =	wrdreg s4  }
0xaa: {  	[dreg:$0x3] =	wrdreg s6  }
0xab: {  	[dreg:$0x4] =	wrdreg $0xC0  }
0xac: {  	_ =	task [dreg:s8], $0x5FFFF  }
0xad: {  	[dreg:$0x1] =	wrdreg $0xFFFFFFFF  }
0xae: {  	[dreg:$0x0] =	wrdreg $0x60  }
0xaf: {  	[dreg:$0x2] =	wrdreg s2  }
0xb0: {  	[dreg:$0x3] =	wrdreg s24  }
0xb1: {  	[dreg:$0x4] =	wrdreg s18  }
0xb2: {  	[dreg:$0x5] =	wrdreg $0x0  }
0xb3: {  	[dreg:$0x6] =	wrdreg $0x9  }
0xb4: {  	_ =	task.clear_ibuf [dreg:s8], $0x7FFFF;
	_ =	strace $0x90000046  }
0xb5: {  	s29 =	simm.s32 $0x9;
	_ =	strace $0x80000048  }
0xb6: {  	_ =	swait.ge [sflag:s29], $0x1  }
0xb7: {  	[sflag:s29] =	ssyncadd.s32 $0xFFFFFFFF  }
0xb8: {  	_ =	strace $0x90000048  }
0xb9: {  	_ =	sfence  }
0xba: {  	s30 =	sld [smem:$0x0];
	_ =	sdelay $0x2  }
0xbb: {  	s31 =	sshll.u32 s1, $0xD;
	s1 =	sshrl.u32 s1, $0x2  }
0xbc: {  	s3 =	sand.u32 $0x4000, s31;
	s1 =	sadd.s32 s1, s30  }
0xbd: {  	s0 =	sor.u32 s3, s0;
	s1 =	sshll.u32 s1, $0x11  }
0xbe: {  	s0 =	sor.u32 s1, s0  }
0xbf: {  	s0 =	sadd.s32 $0x8F2B, s0  }
0xc0: {  	[sflag:s0] =	ssyncadd.remote.s32 $0x1  }
0xc1: {  	_ =	sfence.sel $0xFFFF  }
0xc2: {  	[dreg:$0x0] =	wrdreg $0xFFFFFFFF;
	(pc) =	sbr.abs _section_cstart, $3  }
0xc3: {  	[dreg:$0x1] =	wrdreg $0xFFFFFFFF  }
0xc4: {  	_ =	task.clear_ibuf [dreg:s8], $0x2FFFF;
	_ =	strace $0x9FFFFFFF  }
0xc5: {  	(tm) =	ssettm $0x7FFFFFFF  }
tec
execute0_lowered:
.L_overlay_start_1:
0x0: {  	(tag) =	ssettag $0x1  }
0x1: {  	s0 =	rddreg [dreg:$0x0]  }
0x2: {  	s3 =	rddreg [dreg:$0x1];
	s1 =	srdreg.scid  }
0x3: {  	s4 =	rddreg [dreg:$0x2];
	s18 =	stileid.u32  }
0x4: {  	s2 =	simm.s32 $0x0;
	s28 =	simm.s32 $0x2;
	s8 =	smul.u32 $0x14000, s18  }
0x5: {  	s29 =	simm.s32 $0x0;
	s5 =	sand.u32 $0x1, s1;
	s9 =	smul.u32 $0x50000, s18  }
0x6: {  	[smem:$0x7FF] =	sst s2;
	s6 =	sadd.s32 $0x14C00, s3;
	s11 =	smul.u32 $0x140000, s5  }
0x7: {  	s1 =	ssub.s32 $0x2, s5;
	s14 =	sshll.u32 s5, $0x4;
	s5 =	smul.u32 $0x27100, s5  }
0x8: {  	s7 =	sshrl.u32 s1, $0x1;
	s10 =	sor.u32 $0x2800, s8;
	s12 =	sadd.s32 $0x5000, s8  }
0x9: {  	s13 =	sadd.s32 $0x7800, s8;
	s16 =	sadd.s32 $0xA000, s8;
	s17 =	sadd.s32 $0xC800, s8  }
0xa: {  	s24 =	sadd.s32 $0xF000, s8;
	s1 =	ssub.s32 s1, s7;
	s7 =	sor.u32 s18, s14  }
0xb: {  	s14 =	sadd.s32 s8, s11;
	s8 =	sadd.s32 $0x11800, s8;
	s15 =	sadd.s32 s11, s10  }
0xc: {  	s19 =	sadd.s32 s11, s12;
	s21 =	sadd.s32 s11, s13;
	s23 =	sadd.s32 s11, s16  }
0xd: {  	s26 =	sadd.s32 s11, s17;
	s18 =	smul.u32 $0x2710, s18;
	s14 =	sshrl.u32 s14, $0x3  }
0xe: {  	s15 =	sshrl.u32 s15, $0x3;
	s20 =	sshrl.u32 s19, $0x3;
	s22 =	sshrl.u32 s21, $0x3  }
0xf: {  	s25 =	sshrl.u32 s23, $0x3;
	s19 =	sshrl.u32 s26, $0x3;
	s14 =	sadd.s32 s6, s14  }
0x10: {  	s26 =	sadd.s32 $0x14600, s3;
	[dreg:$0x5] =	wrdreg s14;
	s14 =	sadd.s32 s6, s15  }
0x11: {  	s1 =	smax.u32 s1, $0x1;
	s15 =	sadd.s32 $0x400, s3;
	[dreg:$0x6] =	wrdreg s14  }
0x12: {  	s14 =	sadd.s32 s6, s20;
	s20 =	sadd.s32 s11, s24;
	s11 =	sadd.s32 s11, s8  }
0x13: {  	[dreg:$0x7] =	wrdreg s14;
	s14 =	sadd.s32 s6, s22;
	s21 =	sshrl.u32 s20, $0x3  }
0x14: {  	s22 =	smul.u32 $0x500, s7;
	s23 =	sshrl.u32 s11, $0x3;
	s11 =	rddreg [dreg:$0x3]  }
0x15: {  	[dreg:$0x8] =	wrdreg s14;
	s14 =	sadd.s32 s6, s25;
	s25 =	sshrl.u32 s9, $0x2  }
0x16: {  	s9 =	smul.u32 $0x2710, s7;
	s10 =	sadd.s32 s10, s11;
	s30 =	sadd.s32 s12, s11  }
0x17: {  	s20 =	sadd.s32 s8, s11;
	[dreg:$0x9] =	wrdreg s14;
	s14 =	sadd.s32 s6, s19  }
0x18: {  	s7 =	simm.s32 $0x14100;
	s4 =	sadd.s32 s4, s22;
	[dreg:$0xa] =	wrdreg s14  }
0x19: {  	s8 =	simm.s32 $0x3;
	s14 =	sadd.s32 s6, s21;
	[dreg:$0xd] =	wrdreg s4  }
0x1a: {  	s22 =	sadd.s32 s13, s11;
	s6 =	sadd.s32 s6, s23;
	[dreg:$0xb] =	wrdreg s14  }
0x1b: {  	s13 =	sshrl.u32 s9, $0x3;
	[dreg:$0xc] =	wrdreg s6;
	s14 =	sadd.s32 $0xA200, s3  }
0x1c: {  	s3 =	sadd.s32 $0x14000, s3;
	_ =	strace $0x80000047;
	[dreg:$0xe] =	wrdreg s26  }
0x1d: {  	s4 =	sadd.s32 s18, s5;
	s5 =	sadd.s32 s15, s13;
	[dreg:$0xf] =	wrdreg s3  }
0x1e: {  	s12 =	simm.s32 $0x14080;
	s19 =	sadd.s32 s24, s11;
	[dreg:$0x15] =	wrdreg s5  }
0x1f: {  	s18 =	sadd.s32 s25, s11;
	s25 =	sadd.s32 s17, s11;
	[dreg:$0x18] =	wrdreg s1  }
0x20: {  	s23 =	sadd.s32 s16, s11;
	s31 =	sadd.s32 $0xF0, s9;
	[dreg:$0x10] =	wrdreg s25  }
0x21: {  	s9 =	simm.s32 $0x50;
	s16 =	sadd.s32 $0xA, s13;
	[dreg:$0x11] =	wrdreg s19  }
0x22: {  	s6 =	simm.s32 $0x14000;
	s17 =	sadd.s32 s14, s13;
	[dreg:$0x12] =	wrdreg s23  }
0x23: {  	s21 =	sadd.s32 s14, s16;
	s24 =	sadd.s32 s15, s16;
	[dreg:$0x13] =	wrdreg s20  }
0x24: {  	s26 =	sadd.s32 $0xA0, s4;
	s3 =	simm.s32 $0x14200;
	[dreg:$0x14] =	wrdreg s17  }
0x25: {  	s4 =	simm.s32 $0x5;
	s5 =	simm.s32 $0x19200;
	[dreg:$0x16] =	wrdreg s21  }
0x26: {  	s13 =	simm.s32 $0x14180;
	s16 =	simm.s32 $0x4;
	[dreg:$0x17] =	wrdreg s24  }
0x27: {  	v0 =	vimm.f32 $1.000000000e+00;
	[dreg:$0x19] =	wrdreg s26;
	s17 =	simm.s32 $0x1;
	s26 =	simm.s32 $0x16A00  }
.LBB2_1:
0x28: {  	s1 =	rddreg [dreg:$0xe]  }
0x29: {  	[tilespmem:s3], [sflag:$0x5] =	stream.linear.gather [hbm4b:s1+s2], $0x2800, $0x38;
	[tilespmem:$0x1BA00] =	vst v63  }
0x2a: {  	_ =	swait.ge [sflag:s4], $0x2800  }
0x2b: {  	[sflag:s4] =	ssyncset.done $0x0  }
0x2c: {  	s24 =	rddreg [dreg:$0xf];
	[sflag:s4] =	ssyncadd.s32 $0xFFFFD800  }
0x2d: {  	[tilespmem:s5], [sflag:$0x5] =	stream.linear.gather [hbm4b:s24+s2], $0x2800, $0x38;
	[tilespmem:$0x1BA00] =	vst v63  }
0x2e: {  	_ =	swait.ge [sflag:s4], $0x2800  }
0x2f: {  	[sflag:s4] =	ssyncset.done $0x0  }
0x30: {  	[sflag:s4] =	ssyncadd.s32 $0xFFFFD800  }
0x31: {  	[spmem:s18] =	stream.linear.scatter [tilespmem:s3], [sflag:$0x5], $0x2800, $0x38;
	[tilespmem:$0x1BA00] =	vst v63  }
0x32: {  	_ =	swait.ge [sflag:s4], $0x2800  }
0x33: {  	[sflag:s4] =	ssyncset.done $0x0  }
0x34: {  	[sflag:s4] =	ssyncadd.s32 $0xFFFFD800  }
0x35: {  	[spmem:s10] =	stream.linear.scatter [tilespmem:s3], [sflag:$0x5], $0x2800, $0x38;
	[tilespmem:$0x1BA00] =	vst v63  }
0x36: {  	_ =	swait.ge [sflag:s4], $0x2800  }
0x37: {  	[sflag:s4] =	ssyncset.done $0x0  }
0x38: {  	[sflag:s4] =	ssyncadd.s32 $0xFFFFD800  }
0x39: {  	[spmem:s30] =	stream.linear.scatter [tilespmem:s3], [sflag:$0x5], $0x2800, $0x38;
	[tilespmem:$0x1BA00] =	vst v63  }
0x3a: {  	_ =	swait.ge [sflag:s4], $0x2800  }
0x3b: {  	[sflag:s4] =	ssyncset.done $0x0  }
0x3c: {  	[sflag:s4] =	ssyncadd.s32 $0xFFFFD800  }
0x3d: {  	[spmem:s22] =	stream.linear.scatter [tilespmem:s3], [sflag:$0x5], $0x2800, $0x38;
	[tilespmem:$0x1BA00] =	vst v63  }
0x3e: {  	_ =	swait.ge [sflag:s4], $0x2800  }
0x3f: {  	[sflag:s4] =	ssyncset.done $0x0  }
0x40: {  	[sflag:s4] =	ssyncadd.s32 $0xFFFFD800  }
0x41: {  	[spmem:s23] =	stream.linear.scatter [tilespmem:s3], [sflag:$0x5], $0x2800, $0x38;
	[tilespmem:$0x1BA00] =	vst v63  }
0x42: {  	_ =	swait.ge [sflag:s4], $0x2800  }
0x43: {  	[sflag:s4] =	ssyncset.done $0x0  }
0x44: {  	[sflag:s4] =	ssyncadd.s32 $0xFFFFD800  }
0x45: {  	[spmem:s25] =	stream.linear.scatter [tilespmem:s3], [sflag:$0x5], $0x2800, $0x38;
	[tilespmem:$0x1BA00] =	vst v63  }
0x46: {  	_ =	swait.ge [sflag:s4], $0x2800  }
0x47: {  	[sflag:s4] =	ssyncset.done $0x0  }
0x48: {  	[sflag:s4] =	ssyncadd.s32 $0xFFFFD800  }
0x49: {  	[spmem:s19] =	stream.linear.scatter [tilespmem:s3], [sflag:$0x5], $0x2800, $0x38;
	[tilespmem:$0x1BA00] =	vst v63  }
0x4a: {  	_ =	swait.ge [sflag:s4], $0x2800  }
0x4b: {  	[sflag:s4] =	ssyncset.done $0x0  }
0x4c: {  	s1 =	smov.u32 s20;
	[sflag:s4] =	ssyncadd.s32 $0xFFFFD800  }
0x4d: {  	[spmem:s1] =	stream.linear.scatter [tilespmem:s3], [sflag:$0x5], $0x2800, $0x38;
	[tilespmem:$0x1BA00] =	vst v63  }
0x4e: {  	_ =	swait.ge [sflag:s4], $0x2800  }
0x4f: {  	[sflag:s4] =	ssyncset.done $0x0  }
0x50: {  	[sflag:s4] =	ssyncadd.s32 $0xFFFFD800  }
0x51: {  	[bflag:$0x0] =	sbarrier.arrive $0xFFFF  }
0x52: {  	s19 =	rddreg [dreg:$0x14]  }
0x53: {  	[tilespmem:s6], [sflag:$0x3] =	stream.linear.gather [hbm4b:s19+s2], $0x50, $0x38;
	[tilespmem:$0x1BA00] =	vst v63  }
0x54: {  	s23 =	rddreg [dreg:$0x15]  }
0x55: {  	[tilespmem:s7], [sflag:$0x3] =	stream.linear.gather [hbm4b:s23+s2], $0x50, $0x38;
	[tilespmem:$0x1BA00] =	vst v63  }
0x56: {  	_ =	swait.ge [sflag:s8], $0x50  }
0x57: {  	[sflag:s8] =	ssyncset.done $0x0  }
0x58: {  	[sflag:s8] =	ssyncadd.s32 $0xFFFFFFB0  }
0x59: {  	_ =	swait.ge [sflag:s8], $0x50  }
0x5a: {  	[sflag:s8] =	ssyncset.done $0x0  }
0x5b: {  	[sflag:s8] =	ssyncadd.s32 $0xFFFFFFB0  }
0x5c: {  	[tilespmem:s3], [sflag:$0x1] =	stream.indirect.gather [hbm4b:s0+s9], $0x80, s6, s9, $0xb8;
	[tilespmem:$0x1BA00] =	vst v63  }
0x5d: {  	s25 =	rddreg [dreg:$0x16]  }
0x5e: {  	[tilespmem:s12], [sflag:$0x4] =	stream.linear.gather [hbm4b:s25+s2], $0x50, $0x38;
	[tilespmem:$0x1BA00] =	vst v63  }
0x5f: {  	s21 =	smov.u32 s30;
	s30 =	rddreg [dreg:$0x17]  }
0x60: {  	[tilespmem:s13], [sflag:$0x4] =	stream.linear.gather [hbm4b:s30+s2], $0x50, $0x38;
	[tilespmem:$0x1BA00] =	vst v63  }
0x61: {  	_ =	swait.ge [sflag:s16], $0x50  }
0x62: {  	[sflag:s16] =	ssyncset.done $0x0  }
0x63: {  	[sflag:s16] =	ssyncadd.s32 $0xFFFFFFB0  }
0x64: {  	_ =	swait.ge [sflag:s16], $0x50  }
0x65: {  	[sflag:s16] =	ssyncset.done $0x0  }
0x66: {  	[sflag:s16] =	ssyncadd.s32 $0xFFFFFFB0  }
0x67: {  	_ =	swait.ge [sflag:s17], $0x2800  }
0x68: {  	s20 =	smov.u32 s10;
	s24 =	smov.u32 s18;
	[sflag:s17] =	ssyncset.done $0x0  }
0x69: {  	s10 =	simm.s32 $0x0;
	s1 =	rddreg [dreg:$0x19];
	[sflag:s17] =	ssyncadd.s32 $0xFFFFD800  }
.LBB2_2:
0x6a: {  	[tilespmem:s26], [sflag:$0x2] =	stream.indirect.gather [hbm4b:s0+s9], $0x80, s12, s9, $0xb8;
	[tilespmem:$0x1BA00] =	vst v63  }
0x6b: {  	_ = 	snop  }
0x6c: {  	[spmem:s11] =	stream.indirect.scatter.add.f32 [tilespmem:s3], [sflag:$0x1], $0x80, s7, s9, $0xb8;
	[tilespmem:$0x1BA00] =	vst v63  }
0x6d: {  	v1 =	vld [tilespmem:$0x14100];
	_ =	sdelay $0x7  }
0x6e: {  	[tilespmem:v1+s5+$0x0] =	vst.idx.add.f32.msk $0xffff, v0  }
0x6f: {  	v1 =	vld [tilespmem:$0x14110];
	_ =	sdelay $0x7  }
0x70: {  	[tilespmem:v1+s5+$0x0] =	vst.idx.add.f32.msk $0xffff, v0  }
0x71: {  	v1 =	vld [tilespmem:$0x14120];
	_ =	sdelay $0x7  }
0x72: {  	[tilespmem:v1+s5+$0x0] =	vst.idx.add.f32.msk $0xffff, v0  }
0x73: {  	v1 =	vld [tilespmem:$0x14130];
	_ =	sdelay $0x7  }
0x74: {  	[tilespmem:v1+s5+$0x0] =	vst.idx.add.f32.msk $0xffff, v0  }
0x75: {  	v1 =	vld [tilespmem:$0x14140];
	_ =	sdelay $0x7  }
0x76: {  	[tilespmem:v1+s5+$0x0] =	vst.idx.add.f32.msk $0xffff, v0  }
0x77: {  	_ =	swait.ge [sflag:s17], $0x2800  }
0x78: {  	s30 =	sshrl.u32 s1, $0x3;
	[sflag:s17] =	ssyncset.done $0x0  }
0x79: {  	s18 =	sadd.s32 s14, s30;
	[sflag:s17] =	ssyncadd.s32 $0xFFFFD800  }
0x7a: {  	[tilespmem:s6], [sflag:$0x3] =	stream.linear.gather [hbm4b:s18+s2], $0x50, $0x38;
	[tilespmem:$0x1BA00] =	vst v63  }
0x7b: {  	s19 =	sadd.s32 s15, s30  }
0x7c: {  	[tilespmem:s7], [sflag:$0x3] =	stream.linear.gather [hbm4b:s19+s2], $0x50, $0x38;
	[tilespmem:$0x1BA00] =	vst v63  }
0x7d: {  	_ =	swait.ge [sflag:s28], $0x2800  }
0x7e: {  	[sflag:s28] =	ssyncset.done $0x0  }
0x7f: {  	[sflag:s28] =	ssyncadd.s32 $0xFFFFD800  }
0x80: {  	_ =	swait.ge [sflag:s8], $0x50  }
0x81: {  	[sflag:s8] =	ssyncset.done $0x0  }
0x82: {  	[sflag:s8] =	ssyncadd.s32 $0xFFFFFFB0  }
0x83: {  	_ =	swait.ge [sflag:s8], $0x50  }
0x84: {  	[sflag:s8] =	ssyncset.done $0x0  }
0x85: {  	[sflag:s8] =	ssyncadd.s32 $0xFFFFFFB0  }
0x86: {  	[tilespmem:s3], [sflag:$0x1] =	stream.indirect.gather [hbm4b:s0+s9], $0x80, s6, s9, $0xb8;
	[tilespmem:$0x1BA00] =	vst v63  }
0x87: {  	_ = 	snop  }
0x88: {  	[spmem:s11] =	stream.indirect.scatter.add.f32 [tilespmem:s26], [sflag:$0x2], $0x80, s13, s9, $0xb8;
	[tilespmem:$0x1BA00] =	vst v63  }
0x89: {  	v1 =	vld [tilespmem:$0x14180];
	_ =	sdelay $0x7  }
0x8a: {  	[tilespmem:v1+s5+$0x0] =	vst.idx.add.f32.msk $0xffff, v0  }
0x8b: {  	v1 =	vld [tilespmem:$0x14190];
	_ =	sdelay $0x7  }
0x8c: {  	[tilespmem:v1+s5+$0x0] =	vst.idx.add.f32.msk $0xffff, v0  }
0x8d: {  	v1 =	vld [tilespmem:$0x141A0];
	_ =	sdelay $0x7  }
0x8e: {  	[tilespmem:v1+s5+$0x0] =	vst.idx.add.f32.msk $0xffff, v0  }
0x8f: {  	v1 =	vld [tilespmem:$0x141B0];
	_ =	sdelay $0x7  }
0x90: {  	[tilespmem:v1+s5+$0x0] =	vst.idx.add.f32.msk $0xffff, v0  }
0x91: {  	v1 =	vld [tilespmem:$0x141C0];
	_ =	sdelay $0x5  }
0x92: {  	s23 =	smin.u32 s10, $0x79  }
0x93: {  	s18 =	smul.u32 $0x50, s23  }
0x94: {  	[tilespmem:v1+s5+$0x0] =	vst.idx.add.f32.msk $0xffff, v0  }
0x95: {  	s18 =	sadd.s32 s18, s31;
	_ =	swait.ge [sflag:s28], $0x2800  }
0x96: {  	s18 =	sshrl.u32 s18, $0x3;
	[sflag:s28] =	ssyncset.done $0x0  }
0x97: {  	s25 =	sadd.s32 s14, s18;
	[sflag:s28] =	ssyncadd.s32 $0xFFFFD800  }
0x98: {  	[tilespmem:s12], [sflag:$0x4] =	stream.linear.gather [hbm4b:s25+s2], $0x50, $0x38;
	[tilespmem:$0x1BA00] =	vst v63  }
0x99: {  	s18 =	sadd.s32 s15, s18  }
0x9a: {  	[tilespmem:s13], [sflag:$0x4] =	stream.linear.gather [hbm4b:s18+s2], $0x50, $0x38;
	[tilespmem:$0x1BA00] =	vst v63  }
0x9b: {  	_ =	swait.ge [sflag:s16], $0x50  }
0x9c: {  	[sflag:s16] =	ssyncset.done $0x0  }
0x9d: {  	[sflag:s16] =	ssyncadd.s32 $0xFFFFFFB0  }
0x9e: {  	p0 =	sne.s32 s10, $0x7A;
	_ =	swait.ge [sflag:s16], $0x50  }
.Ltmp0:
0x9f: {  	[sflag:s16] =	ssyncset.done $0x0;
	(pc) =	sbr.rel @p0 .LBB2_2-.Ltmp0, $4  }
0xa0: {  	[sflag:s16] =	ssyncadd.s32 $0xFFFFFFB0  }
0xa1: {  	_ =	swait.ge [sflag:s17], $0x2800  }
0xa2: {  	[sflag:s17] =	ssyncset.done $0x0  }
0xa3: {  	s1 =	sadd.s32 $0xA0, s1;
	s10 =	sadd.s32 $0x2, s10;
	[sflag:s17] =	ssyncadd.s32 $0xFFFFD800  }
0xa4: {  	[spmem:s11] =	stream.indirect.scatter.add.f32 [tilespmem:s3], [sflag:$0x1], $0x80, s7, s9, $0xb8;
	[tilespmem:$0x1BA00] =	vst v63  }
0xa5: {  	v1 =	vld [tilespmem:$0x14100];
	_ =	sdelay $0x7  }
0xa6: {  	[tilespmem:v1+s5+$0x0] =	vst.idx.add.f32.msk $0xffff, v0  }
0xa7: {  	v1 =	vld [tilespmem:$0x14110];
	_ =	sdelay $0x7  }
0xa8: {  	[tilespmem:v1+s5+$0x0] =	vst.idx.add.f32.msk $0xffff, v0  }
0xa9: {  	v1 =	vld [tilespmem:$0x14120];
	_ =	sdelay $0x7  }
0xaa: {  	[tilespmem:v1+s5+$0x0] =	vst.idx.add.f32.msk $0xffff, v0  }
0xab: {  	v1 =	vld [tilespmem:$0x14130];
	_ =	sdelay $0x7  }
0xac: {  	[tilespmem:v1+s5+$0x0] =	vst.idx.add.f32.msk $0xffff, v0  }
0xad: {  	v1 =	vld [tilespmem:$0x14140];
	_ =	sdelay $0x7  }
0xae: {  	[tilespmem:v1+s5+$0x0] =	vst.idx.add.f32.msk $0xffff, v0  }
0xaf: {  	_ =	swait.ge [sflag:s17], $0x2800  }
0xb0: {  	[sflag:s17] =	ssyncset.done $0x0  }
0xb1: {  	[sflag:s17] =	ssyncadd.s32 $0xFFFFD800  }
0xb2: {  	[bflag:$0x0] =	sbarrier.arrive $0xFFFF  }
0xb3: {  	[tilespmem:s3], [sflag:$0x5] =	stream.linear.gather [spmem:s24], $0x2800, $0x38;
	[tilespmem:$0x1BA00] =	vst v63  }
0xb4: {  	_ =	swait.ge [sflag:s4], $0x2800  }
0xb5: {  	[sflag:s4] =	ssyncset.done $0x0  }
0xb6: {  	s1 =	rddreg [dreg:$0x5];
	[sflag:s4] =	ssyncadd.s32 $0xFFFFD800  }
0xb7: {  	[hbm4b:s1+s2] =	stream.linear.scatter [tilespmem:s3], [sflag:$0x5], $0x2800, $0x38;
	[tilespmem:$0x1BA00] =	vst v63  }
0xb8: {  	_ =	swait.ge [sflag:s4], $0x2800  }
0xb9: {  	[sflag:s4] =	ssyncset.done $0x0  }
0xba: {  	[sflag:s4] =	ssyncadd.s32 $0xFFFFD800  }
0xbb: {  	[tilespmem:s3], [sflag:$0x5] =	stream.linear.gather [spmem:s20], $0x2800, $0x38;
	[tilespmem:$0x1BA00] =	vst v63  }
0xbc: {  	_ =	swait.ge [sflag:s4], $0x2800  }
0xbd: {  	[sflag:s4] =	ssyncset.done $0x0  }
0xbe: {  	s23 =	rddreg [dreg:$0x6];
	[sflag:s4] =	ssyncadd.s32 $0xFFFFD800  }
0xbf: {  	[hbm4b:s23+s2] =	stream.linear.scatter [tilespmem:s3], [sflag:$0x5], $0x2800, $0x38;
	[tilespmem:$0x1BA00] =	vst v63  }
0xc0: {  	_ =	swait.ge [sflag:s4], $0x2800  }
0xc1: {  	[sflag:s4] =	ssyncset.done $0x0  }
0xc2: {  	[sflag:s4] =	ssyncadd.s32 $0xFFFFD800  }
0xc3: {  	[tilespmem:s3], [sflag:$0x5] =	stream.linear.gather [spmem:s21], $0x2800, $0x38;
	[tilespmem:$0x1BA00] =	vst v63  }
0xc4: {  	_ =	swait.ge [sflag:s4], $0x2800  }
0xc5: {  	[sflag:s4] =	ssyncset.done $0x0  }
0xc6: {  	s18 =	smov.u32 s24;
	s24 =	rddreg [dreg:$0x7];
	[sflag:s4] =	ssyncadd.s32 $0xFFFFD800  }
0xc7: {  	[hbm4b:s24+s2] =	stream.linear.scatter [tilespmem:s3], [sflag:$0x5], $0x2800, $0x38;
	[tilespmem:$0x1BA00] =	vst v63  }
0xc8: {  	_ =	swait.ge [sflag:s4], $0x2800  }
0xc9: {  	[sflag:s4] =	ssyncset.done $0x0  }
0xca: {  	[sflag:s4] =	ssyncadd.s32 $0xFFFFD800  }
0xcb: {  	[tilespmem:s3], [sflag:$0x5] =	stream.linear.gather [spmem:s22], $0x2800, $0x38;
	[tilespmem:$0x1BA00] =	vst v63  }
0xcc: {  	_ =	swait.ge [sflag:s4], $0x2800  }
0xcd: {  	[sflag:s4] =	ssyncset.done $0x0  }
0xce: {  	s25 =	rddreg [dreg:$0x8];
	[sflag:s4] =	ssyncadd.s32 $0xFFFFD800  }
0xcf: {  	[hbm4b:s25+s2] =	stream.linear.scatter [tilespmem:s3], [sflag:$0x5], $0x2800, $0x38;
	[tilespmem:$0x1BA00] =	vst v63  }
0xd0: {  	_ =	swait.ge [sflag:s4], $0x2800  }
0xd1: {  	[sflag:s4] =	ssyncset.done $0x0  }
0xd2: {  	s23 =	rddreg [dreg:$0x12];
	[sflag:s4] =	ssyncadd.s32 $0xFFFFD800  }
0xd3: {  	[tilespmem:s3], [sflag:$0x5] =	stream.linear.gather [spmem:s23], $0x2800, $0x38;
	[tilespmem:$0x1BA00] =	vst v63  }
0xd4: {  	_ =	swait.ge [sflag:s4], $0x2800  }
0xd5: {  	[sflag:s4] =	ssyncset.done $0x0  }
0xd6: {  	s19 =	rddreg [dreg:$0x9];
	[sflag:s4] =	ssyncadd.s32 $0xFFFFD800  }
0xd7: {  	[hbm4b:s19+s2] =	stream.linear.scatter [tilespmem:s3], [sflag:$0x5], $0x2800, $0x38;
	[tilespmem:$0x1BA00] =	vst v63  }
0xd8: {  	_ =	swait.ge [sflag:s4], $0x2800  }
0xd9: {  	[sflag:s4] =	ssyncset.done $0x0  }
0xda: {  	s25 =	rddreg [dreg:$0x10];
	[sflag:s4] =	ssyncadd.s32 $0xFFFFD800  }
0xdb: {  	[tilespmem:s3], [sflag:$0x5] =	stream.linear.gather [spmem:s25], $0x2800, $0x38;
	[tilespmem:$0x1BA00] =	vst v63  }
0xdc: {  	_ =	swait.ge [sflag:s4], $0x2800  }
0xdd: {  	[sflag:s4] =	ssyncset.done $0x0  }
0xde: {  	s10 =	smov.u32 s20;
	s20 =	rddreg [dreg:$0xa];
	[sflag:s4] =	ssyncadd.s32 $0xFFFFD800  }
0xdf: {  	[hbm4b:s20+s2] =	stream.linear.scatter [tilespmem:s3], [sflag:$0x5], $0x2800, $0x38;
	[tilespmem:$0x1BA00] =	vst v63  }
0xe0: {  	_ =	swait.ge [sflag:s4], $0x2800  }
0xe1: {  	[sflag:s4] =	ssyncset.done $0x0  }
0xe2: {  	s19 =	rddreg [dreg:$0x11];
	[sflag:s4] =	ssyncadd.s32 $0xFFFFD800  }
0xe3: {  	[tilespmem:s3], [sflag:$0x5] =	stream.linear.gather [spmem:s19], $0x2800, $0x38;
	[tilespmem:$0x1BA00] =	vst v63  }
0xe4: {  	_ =	swait.ge [sflag:s4], $0x2800  }
0xe5: {  	[sflag:s4] =	ssyncset.done $0x0  }
0xe6: {  	s30 =	smov.u32 s21;
	s21 =	rddreg [dreg:$0xb];
	[sflag:s4] =	ssyncadd.s32 $0xFFFFD800  }
0xe7: {  	[hbm4b:s21+s2] =	stream.linear.scatter [tilespmem:s3], [sflag:$0x5], $0x2800, $0x38;
	[tilespmem:$0x1BA00] =	vst v63  }
0xe8: {  	_ =	swait.ge [sflag:s4], $0x2800  }
0xe9: {  	[sflag:s4] =	ssyncset.done $0x0  }
0xea: {  	s20 =	rddreg [dreg:$0x13];
	[sflag:s4] =	ssyncadd.s32 $0xFFFFD800  }
0xeb: {  	[tilespmem:s3], [sflag:$0x5] =	stream.linear.gather [spmem:s20], $0x2800, $0x38;
	[tilespmem:$0x1BA00] =	vst v63  }
0xec: {  	_ =	swait.ge [sflag:s4], $0x2800  }
0xed: {  	[sflag:s4] =	ssyncset.done $0x0  }
0xee: {  	s24 =	rddreg [dreg:$0xc];
	[sflag:s4] =	ssyncadd.s32 $0xFFFFD800  }
0xef: {  	[hbm4b:s24+s2] =	stream.linear.scatter [tilespmem:s3], [sflag:$0x5], $0x2800, $0x38;
	[tilespmem:$0x1BA00] =	vst v63  }
0xf0: {  	_ =	swait.ge [sflag:s4], $0x2800  }
0xf1: {  	[sflag:s4] =	ssyncset.done $0x0  }
0xf2: {  	s21 =	rddreg [dreg:$0xd];
	[sflag:s4] =	ssyncadd.s32 $0xFFFFD800  }
0xf3: {  	[hbm4b:s21+s2] =	stream.linear.scatter [tilespmem:s5], [sflag:$0x5], $0x2800, $0x38;
	[tilespmem:$0x1BA00] =	vst v63  }
0xf4: {  	_ =	swait.ge [sflag:s4], $0x2800  }
0xf5: {  	s29 =	sadd.s32 $0x1, s29;
	s24 =	rddreg [dreg:$0x18]  }
0xf6: {  	p0 =	sne.s32 s29, s24  }
.Ltmp1:
0xf7: {  	_ = 	snop;
	(pc) =	sbr.rel @p0 .LBB2_1-.Ltmp1, $3  }
0xf8: {  	_ =	sdelay $0x1  }
0xf9: {  	[sflag:s4] =	ssyncset.done $0x0  }
0xfa: {  	[sflag:s4] =	ssyncadd.s32 $0xFFFFD800  }
0xfb: {  	_ =	sfence.sel $0x180000  }
0xfc: {  	[bflag:$0x0] =	sbarrier.arrive $0xFFFF  }
0xfd: {  	_ =	strace $0x90000047  }
0xfe: {  	s0 =	stileid.u32;
	[bflag:$0x2] =	sbarrier.arrive $0xFFFF  }
0xff: {  	p0 =	sne.s32 s0, $0x0;
	s0 =	rddreg [dreg:$0x4]  }
0x100: {  	s0 =	sadd.s32 @!p0 $0x100000, s0  }
0x101: {  	[sflag:s0] =	ssyncadd.tile.s32 @!p0 $0x1;
	_ =	shalt  }
.Lfunc_end2:
_tile_overlayer_lowered:
.L_overlay_start_2:
0x102: {  	(tag) =	ssettag $0x2  }
0x103: {  	s0 =	rddreg [dreg:$0x0];
	s2 =	stileid.u32  }
0x104: {  	s1 =	rddreg [dreg:$0x1];
	p0 =	sne.s32 s2, $0x0  }
0x105: {  	s3 =	rddreg [dreg:$0x2];
	[bflag:$0x3] =	sbarrier.arrive $0xFFFF;
	s2 =	simm.s32 @!p0 $0x1C05  }
0x106: {  	[timem:s3], [sflag:s2] =	dma.local @!p0 [hbm:s0], s1  }
0x107: {  	s0 =	simm.s32 @!p0 $0x5  }
0x108: {  	_ =	swait.ge @!p0 [sflag:s0], s1  }
0x109: {  	s1 =	ssub.s32 @!p0 $0x0, s1;
	[sflag:s0] =	ssyncset.done @!p0 $0x0  }
0x10a: {  	[sflag:s0] =	ssyncadd.s32 @!p0 s1  }
0x10b: {  	[bflag:$0x3] =	sbarrier.arrive $0xFFFF  }
0x10c: {  	_ =	shalt  }

</sc_bundles>
